<compile_context>
chip_gen: v7x
topology: tpu7x:2x2x1
jax: 0.10.2.dev20260603
libtpu: 0.0.44.dev20260713+nightly
codegen_flags: <defaults>
</compile_context>

<pallas_src>
import functools

import jax
import jax.numpy as jnp
from jax import lax
from jax.experimental import pallas as pl
from jax.experimental.pallas import tpu as pltpu
from jax.experimental.pallas import tpu_sc as plsc

_D = 64
_L = 128
_NK = 5
_NBUF = 2


@functools.lru_cache(maxsize=None)
def _build(num_rows: int):
    info = plsc.get_sparse_core_info()
    nw = info.num_cores * info.num_subcores
    rows_per_w = num_rows // nw
    n_chunks = rows_per_w // _NK
    assert num_rows % nw == 0 and rows_per_w % _NK == 0 and n_chunks % 2 == 0

    mesh = plsc.VectorSubcoreMesh(core_axis_name="c", subcore_axis_name="s")

    @functools.partial(
        pl.kernel,
        mesh=mesh,
        compiler_params=pltpu.CompilerParams(use_tc_tiling_on_sc=False),
        out_type=jax.ShapeDtypeStruct((num_rows, _L, _D), jnp.float32),
        scratch_types=[
            pltpu.VMEM((_NBUF, _NK, _L), jnp.int32),
            pltpu.VMEM((_NBUF, _NK, _L, _D), jnp.float32),
            pltpu.SemaphoreType.DMA,
            pltpu.SemaphoreType.DMA,
            pltpu.SemaphoreType.DMA,
            pltpu.SemaphoreType.DMA,
            pltpu.SemaphoreType.DMA,
            pltpu.SemaphoreType.DMA,
            pltpu.VMEM_SHARED((2048, _D), jnp.float32),
        ],
    )
    def gather_kernel(x_hbm, table_hbm, out_hbm, idx_v, rows_v,
                      g0, g1, s0, s1, i0, i1, table_sp):
        cid = lax.axis_index("c")
        sid = lax.axis_index("s")
        wid = sid * info.num_cores + cid
        base = wid * rows_per_w
        gsems = (g0, g1)
        ssems = (s0, s1)
        isems = (i0, i1)

        def load_idx(b, ci):
            row0 = base + ci * _NK
            pltpu.async_copy(x_hbm.at[pl.ds(row0, _NK)], idx_v.at[b],
                             isems[b])

        def wait_idx(b, ci):
            row0 = base + ci * _NK
            pltpu.make_async_copy(x_hbm.at[pl.ds(row0, _NK)], idx_v.at[b],
                                  isems[b]).wait()

        def fire(b):
            for j in range(_NK):
                pltpu.async_copy(table_sp.at[idx_v.at[b].at[j]],
                                 rows_v.at[b].at[j], gsems[b])

        def drain_gathers(b, ci):
            row0 = base + ci * _NK
            pltpu.make_async_copy(out_hbm.at[pl.ds(row0, _NK)],
                                  rows_v.at[b], gsems[b]).wait()

        def store(b, ci):
            row0 = base + ci * _NK
            pltpu.async_copy(rows_v.at[b], out_hbm.at[pl.ds(row0, _NK)],
                             ssems[b])

        def drain_store(b, ci):
            row0 = base + ci * _NK
            pltpu.make_async_copy(rows_v.at[b],
                                  out_hbm.at[pl.ds(row0, _NK)],
                                  ssems[b]).wait()

        @pl.when(sid == 0)
        def _():
            pltpu.sync_copy(table_hbm, table_sp)
        plsc.subcore_barrier()

        for b in range(_NBUF):
            load_idx(b, b)
        for b in range(_NBUF):
            wait_idx(b, b)
            fire(b)

        def body(i, carry):
            for b in range(_NBUF):
                ci = i * _NBUF + b
                drain_gathers(b, ci)
                store(b, ci)
                load_idx(b, ci + _NBUF)
                drain_store(b, ci)
                wait_idx(b, ci + _NBUF)
                fire(b)
            return carry

        lax.fori_loop(0, (n_chunks - _NBUF) // _NBUF, body, 0)

        for b in range(_NBUF):
            ci = n_chunks - _NBUF + b
            drain_gathers(b, ci)
            store(b, ci)
        for b in range(_NBUF):
            drain_store(b, n_chunks - _NBUF + b)

    return gather_kernel


def kernel(x, table):
    s0, s1 = x.shape
    total = s0 * s1
    num_rows = total // _L
    x_rows = x.reshape(num_rows, _L).astype(jnp.int32)
    out = _build(num_rows)(x_rows, table)
    return out.reshape(s0, s1, _D)

# --- scband reference (transcript-rebuilt; emitter-appended) ---
"""Pipeline reference for scband-position-embedding-14474039788038 (READ-ONLY COPY).

The authoritative reference and input builder live on the scoring server;
editing this copy changes nothing except your own understanding.
"""

import jax, jax.numpy as jnp
import numpy as np

MAX_SEQ_LEN = 2048
EMBED_SIZE = 64

def setup_inputs(seed: int = 0) -> dict:
    key = jax.random.key(seed)
    k1, k2 = jax.random.split(key)
    x = jax.random.randint(k1, (16384, 200), 0, MAX_SEQ_LEN, dtype=jnp.int64 if jax.config.jax_enable_x64 else jnp.int32)
    table = jax.random.normal(k2, (MAX_SEQ_LEN, EMBED_SIZE), dtype=jnp.float32)
    return {"x": x, "table": table}

def reference(x, table):
    # nn.Embedding lookup: gather rows of the position embedding table
    out = jnp.take(table, x, axis=0)
    return out

if __name__ == "__main__":
    import jax
    _d = setup_inputs()
    print(jax.jit(kernel)(*tuple(_d.values())))

</pallas_src>

<mosaic_0001>
#map = affine_map<(d0, d1) -> (0, 0)>
#map1 = affine_map<(d0, d1) -> (0, 0, 0)>
module attributes {stable_mosaic.version = 14 : i64} {
  func.func @gather_kernel(%arg0: i32, %arg1: i32, %arg2: memref<25600x128xi32, #tpu.memory_space<hbm>>, %arg3: memref<2048x64xf32, #tpu.memory_space<hbm>>, %arg4: memref<25600x128x64xf32, #tpu.memory_space<hbm>>, %arg5: memref<2x5x128xi32, #tpu.memory_space<vmem>>, %arg6: memref<2x5x128x64xf32, #tpu.memory_space<vmem>>, %arg7: memref<!tpu.dma_semaphore, #tpu.memory_space<semaphore_mem>>, %arg8: memref<!tpu.dma_semaphore, #tpu.memory_space<semaphore_mem>>, %arg9: memref<!tpu.dma_semaphore, #tpu.memory_space<semaphore_mem>>, %arg10: memref<!tpu.dma_semaphore, #tpu.memory_space<semaphore_mem>>, %arg11: memref<!tpu.dma_semaphore, #tpu.memory_space<semaphore_mem>>, %arg12: memref<!tpu.dma_semaphore, #tpu.memory_space<semaphore_mem>>, %arg13: memref<2048x64xf32, #tpu.memory_space<vmem_shared>>) attributes {dimension_semantics = [#tpu.dimension_semantics<core_parallel>, #tpu.dimension_semantics<subcore_parallel>], iteration_bounds = array<i64: 2, 16>, scalar_prefetch = 0 : i64, scratch_operands = 9 : i64, tpu.core_type = #tpu.core_type<sc_vector_subcore>, window_params = [{transform_indices = #map}, {transform_indices = #map}, {transform_indices = #map1}]} {
    %mul3A = arith.constant 2 : i32
    %mul3A_0 = arith.muli %arg1, %mul3A : i32
    %add3A = arith.addi %mul3A_0, %arg0 : i32
    %mul3A_1 = arith.constant 800 : i32
    %mul3A_2 = arith.muli %add3A, %mul3A_1 : i32
    %eq3A = arith.constant 0 : i32
    %eq3A_3 = arith.cmpi eq, %arg1, %eq3A : i32
    %convert_element_type3A = arith.extui %eq3A_3 : i1 to i32
    %cond3A = arith.constant 0 : i32
    %cond3A_4 = arith.cmpi ne, %convert_element_type3A, %cond3A : i32
    scf.if %cond3A_4 {
      "tpu.region"() ({
        %run_scoped3A = tpu.sem_alloc : memref<!tpu.dma_semaphore, #tpu.memory_space<semaphore_mem>>
        tpu.enqueue_dma source(%arg3 : memref<2048x64xf32, #tpu.memory_space<hbm>>) target(%arg13 : memref<2048x64xf32, #tpu.memory_space<vmem_shared>>) target_semaphore(%run_scoped3A : memref<!tpu.dma_semaphore, #tpu.memory_space<semaphore_mem>>)
        tpu.wait_dma2 semaphore(%run_scoped3A : memref<!tpu.dma_semaphore, #tpu.memory_space<semaphore_mem>>) src(%arg3 : memref<2048x64xf32, #tpu.memory_space<hbm>>) dst(%arg13 : memref<2048x64xf32, #tpu.memory_space<vmem_shared>>)
        tpu.yield
      }) : () -> ()
    } else {
    }
    %barrier3A = arith.constant 0 : index
    tpu.barrier barrier_id(%barrier3A)
    %add3A_5 = arith.constant 0 : i32
    %add3A_6 = arith.addi %mul3A_2, %add3A_5 : i32
    %dma_start3A = arith.constant 0 : i32
    %dma_start3A_7 = arith.constant 0 : i32
    %dma_start3A_8 = arith.constant 0 : i32
    %dma_start3A_9 = tpu.memref_slice %arg5[%dma_start3A, %dma_start3A_7, %dma_start3A_8] : memref<2x5x128xi32, #tpu.memory_space<vmem>> -> memref<1x5x128xi32, #tpu.memory_space<vmem>>
    %dma_start3A_10 = tpu.memref_squeeze %dma_start3A_9 : memref<1x5x128xi32, #tpu.memory_space<vmem>> -> memref<5x128xi32, #tpu.memory_space<vmem>>
    %dma_start3A_11 = arith.constant 0 : i32
    %dma_start3A_12 = tpu.memref_slice %arg2[%add3A_6, %dma_start3A_11] : memref<25600x128xi32, #tpu.memory_space<hbm>> -> memref<5x128xi32, #tpu.memory_space<hbm>>
    %dma_start3A_13 = arith.constant 0 : i32
    %dma_start3A_14 = arith.constant 0 : i32
    %dma_start3A_15 = tpu.memref_slice %arg5[%dma_start3A, %dma_start3A_13, %dma_start3A_14] : memref<2x5x128xi32, #tpu.memory_space<vmem>> -> memref<1x5x128xi32, #tpu.memory_space<vmem>>
    %dma_start3A_16 = tpu.memref_squeeze %dma_start3A_15 : memref<1x5x128xi32, #tpu.memory_space<vmem>> -> memref<5x128xi32, #tpu.memory_space<vmem>>
    %dma_start3A_17 = arith.constant 0 : i32
    %dma_start3A_18 = tpu.memref_slice %arg2[%add3A_6, %dma_start3A_17] : memref<25600x128xi32, #tpu.memory_space<hbm>> -> memref<5x128xi32, #tpu.memory_space<hbm>>
    tpu.enqueue_dma source(%dma_start3A_18 : memref<5x128xi32, #tpu.memory_space<hbm>>) target(%dma_start3A_16 : memref<5x128xi32, #tpu.memory_space<vmem>>) target_semaphore(%arg11 : memref<!tpu.dma_semaphore, #tpu.memory_space<semaphore_mem>>)
    %add3A_19 = arith.constant 5 : i32
    %add3A_20 = arith.addi %mul3A_2, %add3A_19 : i32
    %dma_start3A_21 = arith.constant 1 : i32
    %dma_start3A_22 = arith.constant 0 : i32
    %dma_start3A_23 = arith.constant 0 : i32
    %dma_start3A_24 = tpu.memref_slice %arg5[%dma_start3A_21, %dma_start3A_22, %dma_start3A_23] : memref<2x5x128xi32, #tpu.memory_space<vmem>> -> memref<1x5x128xi32, #tpu.memory_space<vmem>>
    %dma_start3A_25 = tpu.memref_squeeze %dma_start3A_24 : memref<1x5x128xi32, #tpu.memory_space<vmem>> -> memref<5x128xi32, #tpu.memory_space<vmem>>
    %dma_start3A_26 = arith.constant 0 : i32
    %dma_start3A_27 = tpu.memref_slice %arg2[%add3A_20, %dma_start3A_26] : memref<25600x128xi32, #tpu.memory_space<hbm>> -> memref<5x128xi32, #tpu.memory_space<hbm>>
    %dma_start3A_28 = arith.constant 0 : i32
    %dma_start3A_29 = arith.constant 0 : i32
    %dma_start3A_30 = tpu.memref_slice %arg5[%dma_start3A_21, %dma_start3A_28, %dma_start3A_29] : memref<2x5x128xi32, #tpu.memory_space<vmem>> -> memref<1x5x128xi32, #tpu.memory_space<vmem>>
    %dma_start3A_31 = tpu.memref_squeeze %dma_start3A_30 : memref<1x5x128xi32, #tpu.memory_space<vmem>> -> memref<5x128xi32, #tpu.memory_space<vmem>>
    %dma_start3A_32 = arith.constant 0 : i32
    %dma_start3A_33 = tpu.memref_slice %arg2[%add3A_20, %dma_start3A_32] : memref<25600x128xi32, #tpu.memory_space<hbm>> -> memref<5x128xi32, #tpu.memory_space<hbm>>
    tpu.enqueue_dma source(%dma_start3A_33 : memref<5x128xi32, #tpu.memory_space<hbm>>) target(%dma_start3A_31 : memref<5x128xi32, #tpu.memory_space<vmem>>) target_semaphore(%arg12 : memref<!tpu.dma_semaphore, #tpu.memory_space<semaphore_mem>>)
    %add3A_34 = arith.constant 0 : i32
    %add3A_35 = arith.addi %mul3A_2, %add3A_34 : i32
    %dma_wait3A = arith.constant 0 : i32
    %dma_wait3A_36 = arith.constant 0 : i32
    %dma_wait3A_37 = arith.constant 0 : i32
    %dma_wait3A_38 = tpu.memref_slice %arg5[%dma_wait3A, %dma_wait3A_36, %dma_wait3A_37] : memref<2x5x128xi32, #tpu.memory_space<vmem>> -> memref<1x5x128xi32, #tpu.memory_space<vmem>>
    %dma_wait3A_39 = tpu.memref_squeeze %dma_wait3A_38 : memref<1x5x128xi32, #tpu.memory_space<vmem>> -> memref<5x128xi32, #tpu.memory_space<vmem>>
    %dma_wait3A_40 = arith.constant 0 : i32
    %dma_wait3A_41 = tpu.memref_slice %arg2[%add3A_35, %dma_wait3A_40] : memref<25600x128xi32, #tpu.memory_space<hbm>> -> memref<5x128xi32, #tpu.memory_space<hbm>>
    %dma_wait3A_42 = arith.constant 0 : i32
    %dma_wait3A_43 = arith.constant 0 : i32
    %dma_wait3A_44 = tpu.memref_slice %arg5[%dma_wait3A, %dma_wait3A_42, %dma_wait3A_43] : memref<2x5x128xi32, #tpu.memory_space<vmem>> -> memref<1x5x128xi32, #tpu.memory_space<vmem>>
    %dma_wait3A_45 = tpu.memref_squeeze %dma_wait3A_44 : memref<1x5x128xi32, #tpu.memory_space<vmem>> -> memref<5x128xi32, #tpu.memory_space<vmem>>
    %dma_wait3A_46 = arith.constant 0 : i32
    %dma_wait3A_47 = tpu.memref_slice %arg2[%add3A_35, %dma_wait3A_46] : memref<25600x128xi32, #tpu.memory_space<hbm>> -> memref<5x128xi32, #tpu.memory_space<hbm>>
    tpu.wait_dma2 semaphore(%arg11 : memref<!tpu.dma_semaphore, #tpu.memory_space<semaphore_mem>>) src(%dma_wait3A_47 : memref<5x128xi32, #tpu.memory_space<hbm>>) dst(%dma_wait3A_45 : memref<5x128xi32, #tpu.memory_space<vmem>>)
    %dma_start3A_48 = arith.constant 0 : i32
    %dma_start3A_49 = arith.constant 0 : i32
    %dma_start3A_50 = arith.constant 0 : i32
    %dma_start3A_51 = arith.constant 0 : i32
    %dma_start3A_52 = arith.constant 0 : i32
    %dma_start3A_53 = arith.constant 0 : i32
    %dma_start3A_54 = arith.constant 0 : i32
    %dma_start3A_55 = tpu.memref_slice %arg6[%dma_start3A_50, %dma_start3A_52, %dma_start3A_53, %dma_start3A_54] : memref<2x5x128x64xf32, #tpu.memory_space<vmem>> -> memref<1x5x128x64xf32, #tpu.memory_space<vmem>>
    %dma_start3A_56 = tpu.memref_squeeze %dma_start3A_55 : memref<1x5x128x64xf32, #tpu.memory_space<vmem>> -> memref<5x128x64xf32, #tpu.memory_space<vmem>>
    %dma_start3A_57 = arith.constant 0 : i32
    %dma_start3A_58 = arith.constant 0 : i32
    %dma_start3A_59 = tpu.memref_slice %dma_start3A_56[%dma_start3A_51, %dma_start3A_57, %dma_start3A_58] : memref<5x128x64xf32, #tpu.memory_space<vmem>> -> memref<1x128x64xf32, #tpu.memory_space<vmem>>
    %dma_start3A_60 = tpu.memref_squeeze %dma_start3A_59 : memref<1x128x64xf32, #tpu.memory_space<vmem>> -> memref<128x64xf32, #tpu.memory_space<vmem>>
    %dma_start3A_61 = arith.constant 0 : i32
    %dma_start3A_62 = arith.constant 0 : i32
    %dma_start3A_63 = tpu.memref_slice %arg5[%dma_start3A_48, %dma_start3A_61, %dma_start3A_62] : memref<2x5x128xi32, #tpu.memory_space<vmem>> -> memref<1x5x128xi32, #tpu.memory_space<vmem>>
    %dma_start3A_64 = tpu.memref_squeeze %dma_start3A_63 : memref<1x5x128xi32, #tpu.memory_space<vmem>> -> memref<5x128xi32, #tpu.memory_space<vmem>>
    %dma_start3A_65 = arith.constant 0 : i32
    %dma_start3A_66 = tpu.memref_slice %dma_start3A_64[%dma_start3A_49, %dma_start3A_65] : memref<5x128xi32, #tpu.memory_space<vmem>> -> memref<1x128xi32, #tpu.memory_space<vmem>>
    %dma_start3A_67 = tpu.memref_squeeze %dma_start3A_66 : memref<1x128xi32, #tpu.memory_space<vmem>> -> memref<128xi32, #tpu.memory_space<vmem>>
    %dma_start3A_68 = arith.constant 0 : i32
    %dma_start3A_69 = arith.constant 0 : i32
    %dma_start3A_70 = tpu.memref_slice %arg13[%dma_start3A_68, %dma_start3A_69] : memref<2048x64xf32, #tpu.memory_space<vmem_shared>> -> memref<2048x64xf32, #tpu.memory_space<vmem_shared>>
    tpu.enqueue_indirect_dma source(%dma_start3A_70 : memref<2048x64xf32, #tpu.memory_space<vmem_shared>>) target(%dma_start3A_60 : memref<128x64xf32, #tpu.memory_space<vmem>>) offsets(%dma_start3A_67 : memref<128xi32, #tpu.memory_space<vmem>>) semaphore(%arg7 : memref<!tpu.dma_semaphore, #tpu.memory_space<semaphore_mem>>)
    %dma_start3A_71 = arith.constant 0 : i32
    %dma_start3A_72 = arith.constant 1 : i32
    %dma_start3A_73 = arith.constant 0 : i32
    %dma_start3A_74 = arith.constant 1 : i32
    %dma_start3A_75 = arith.constant 0 : i32
    %dma_start3A_76 = arith.constant 0 : i32
    %dma_start3A_77 = arith.constant 0 : i32
    %dma_start3A_78 = tpu.memref_slice %arg6[%dma_start3A_73, %dma_start3A_75, %dma_start3A_76, %dma_start3A_77] : memref<2x5x128x64xf32, #tpu.memory_space<vmem>> -> memref<1x5x128x64xf32, #tpu.memory_space<vmem>>
    %dma_start3A_79 = tpu.memref_squeeze %dma_start3A_78 : memref<1x5x128x64xf32, #tpu.memory_space<vmem>> -> memref<5x128x64xf32, #tpu.memory_space<vmem>>
    %dma_start3A_80 = arith.constant 0 : i32
    %dma_start3A_81 = arith.constant 0 : i32
    %dma_start3A_82 = tpu.memref_slice %dma_start3A_79[%dma_start3A_74, %dma_start3A_80, %dma_start3A_81] : memref<5x128x64xf32, #tpu.memory_space<vmem>> -> memref<1x128x64xf32, #tpu.memory_space<vmem>>
    %dma_start3A_83 = tpu.memref_squeeze %dma_start3A_82 : memref<1x128x64xf32, #tpu.memory_space<vmem>> -> memref<128x64xf32, #tpu.memory_space<vmem>>
    %dma_start3A_84 = arith.constant 0 : i32
    %dma_start3A_85 = arith.constant 0 : i32
    %dma_start3A_86 = tpu.memref_slice %arg5[%dma_start3A_71, %dma_start3A_84, %dma_start3A_85] : memref<2x5x128xi32, #tpu.memory_space<vmem>> -> memref<1x5x128xi32, #tpu.memory_space<vmem>>
    %dma_start3A_87 = tpu.memref_squeeze %dma_start3A_86 : memref<1x5x128xi32, #tpu.memory_space<vmem>> -> memref<5x128xi32, #tpu.memory_space<vmem>>
    %dma_start3A_88 = arith.constant 0 : i32
    %dma_start3A_89 = tpu.memref_slice %dma_start3A_87[%dma_start3A_72, %dma_start3A_88] : memref<5x128xi32, #tpu.memory_space<vmem>> -> memref<1x128xi32, #tpu.memory_space<vmem>>
    %dma_start3A_90 = tpu.memref_squeeze %dma_start3A_89 : memref<1x128xi32, #tpu.memory_space<vmem>> -> memref<128xi32, #tpu.memory_space<vmem>>
    %dma_start3A_91 = arith.constant 0 : i32
    %dma_start3A_92 = arith.constant 0 : i32
    %dma_start3A_93 = tpu.memref_slice %arg13[%dma_start3A_91, %dma_start3A_92] : memref<2048x64xf32, #tpu.memory_space<vmem_shared>> -> memref<2048x64xf32, #tpu.memory_space<vmem_shared>>
    tpu.enqueue_indirect_dma source(%dma_start3A_93 : memref<2048x64xf32, #tpu.memory_space<vmem_shared>>) target(%dma_start3A_83 : memref<128x64xf32, #tpu.memory_space<vmem>>) offsets(%dma_start3A_90 : memref<128xi32, #tpu.memory_space<vmem>>) semaphore(%arg7 : memref<!tpu.dma_semaphore, #tpu.memory_space<semaphore_mem>>)
    %dma_start3A_94 = arith.constant 0 : i32
    %dma_start3A_95 = arith.constant 2 : i32
    %dma_start3A_96 = arith.constant 0 : i32
    %dma_start3A_97 = arith.constant 2 : i32
    %dma_start3A_98 = arith.constant 0 : i32
    %dma_start3A_99 = arith.constant 0 : i32
    %dma_start3A_100 = arith.constant 0 : i32
    %dma_start3A_101 = tpu.memref_slice %arg6[%dma_start3A_96, %dma_start3A_98, %dma_start3A_99, %dma_start3A_100] : memref<2x5x128x64xf32, #tpu.memory_space<vmem>> -> memref<1x5x128x64xf32, #tpu.memory_space<vmem>>
    %dma_start3A_102 = tpu.memref_squeeze %dma_start3A_101 : memref<1x5x128x64xf32, #tpu.memory_space<vmem>> -> memref<5x128x64xf32, #tpu.memory_space<vmem>>
    %dma_start3A_103 = arith.constant 0 : i32
    %dma_start3A_104 = arith.constant 0 : i32
    %dma_start3A_105 = tpu.memref_slice %dma_start3A_102[%dma_start3A_97, %dma_start3A_103, %dma_start3A_104] : memref<5x128x64xf32, #tpu.memory_space<vmem>> -> memref<1x128x64xf32, #tpu.memory_space<vmem>>
    %dma_start3A_106 = tpu.memref_squeeze %dma_start3A_105 : memref<1x128x64xf32, #tpu.memory_space<vmem>> -> memref<128x64xf32, #tpu.memory_space<vmem>>
    %dma_start3A_107 = arith.constant 0 : i32
    %dma_start3A_108 = arith.constant 0 : i32
    %dma_start3A_109 = tpu.memref_slice %arg5[%dma_start3A_94, %dma_start3A_107, %dma_start3A_108] : memref<2x5x128xi32, #tpu.memory_space<vmem>> -> memref<1x5x128xi32, #tpu.memory_space<vmem>>
    %dma_start3A_110 = tpu.memref_squeeze %dma_start3A_109 : memref<1x5x128xi32, #tpu.memory_space<vmem>> -> memref<5x128xi32, #tpu.memory_space<vmem>>
    %dma_start3A_111 = arith.constant 0 : i32
    %dma_start3A_112 = tpu.memref_slice %dma_start3A_110[%dma_start3A_95, %dma_start3A_111] : memref<5x128xi32, #tpu.memory_space<vmem>> -> memref<1x128xi32, #tpu.memory_space<vmem>>
    %dma_start3A_113 = tpu.memref_squeeze %dma_start3A_112 : memref<1x128xi32, #tpu.memory_space<vmem>> -> memref<128xi32, #tpu.memory_space<vmem>>
    %dma_start3A_114 = arith.constant 0 : i32
    %dma_start3A_115 = arith.constant 0 : i32
    %dma_start3A_116 = tpu.memref_slice %arg13[%dma_start3A_114, %dma_start3A_115] : memref<2048x64xf32, #tpu.memory_space<vmem_shared>> -> memref<2048x64xf32, #tpu.memory_space<vmem_shared>>
    tpu.enqueue_indirect_dma source(%dma_start3A_116 : memref<2048x64xf32, #tpu.memory_space<vmem_shared>>) target(%dma_start3A_106 : memref<128x64xf32, #tpu.memory_space<vmem>>) offsets(%dma_start3A_113 : memref<128xi32, #tpu.memory_space<vmem>>) semaphore(%arg7 : memref<!tpu.dma_semaphore, #tpu.memory_space<semaphore_mem>>)
    %dma_start3A_117 = arith.constant 0 : i32
    %dma_start3A_118 = arith.constant 3 : i32
    %dma_start3A_119 = arith.constant 0 : i32
    %dma_start3A_120 = arith.constant 3 : i32
    %dma_start3A_121 = arith.constant 0 : i32
    %dma_start3A_122 = arith.constant 0 : i32
    %dma_start3A_123 = arith.constant 0 : i32
    %dma_start3A_124 = tpu.memref_slice %arg6[%dma_start3A_119, %dma_start3A_121, %dma_start3A_122, %dma_start3A_123] : memref<2x5x128x64xf32, #tpu.memory_space<vmem>> -> memref<1x5x128x64xf32, #tpu.memory_space<vmem>>
    %dma_start3A_125 = tpu.memref_squeeze %dma_start3A_124 : memref<1x5x128x64xf32, #tpu.memory_space<vmem>> -> memref<5x128x64xf32, #tpu.memory_space<vmem>>
    %dma_start3A_126 = arith.constant 0 : i32
    %dma_start3A_127 = arith.constant 0 : i32
    %dma_start3A_128 = tpu.memref_slice %dma_start3A_125[%dma_start3A_120, %dma_start3A_126, %dma_start3A_127] : memref<5x128x64xf32, #tpu.memory_space<vmem>> -> memref<1x128x64xf32, #tpu.memory_space<vmem>>
    %dma_start3A_129 = tpu.memref_squeeze %dma_start3A_128 : memref<1x128x64xf32, #tpu.memory_space<vmem>> -> memref<128x64xf32, #tpu.memory_space<vmem>>
    %dma_start3A_130 = arith.constant 0 : i32
    %dma_start3A_131 = arith.constant 0 : i32
    %dma_start3A_132 = tpu.memref_slice %arg5[%dma_start3A_117, %dma_start3A_130, %dma_start3A_131] : memref<2x5x128xi32, #tpu.memory_space<vmem>> -> memref<1x5x128xi32, #tpu.memory_space<vmem>>
    %dma_start3A_133 = tpu.memref_squeeze %dma_start3A_132 : memref<1x5x128xi32, #tpu.memory_space<vmem>> -> memref<5x128xi32, #tpu.memory_space<vmem>>
    %dma_start3A_134 = arith.constant 0 : i32
    %dma_start3A_135 = tpu.memref_slice %dma_start3A_133[%dma_start3A_118, %dma_start3A_134] : memref<5x128xi32, #tpu.memory_space<vmem>> -> memref<1x128xi32, #tpu.memory_space<vmem>>
    %dma_start3A_136 = tpu.memref_squeeze %dma_start3A_135 : memref<1x128xi32, #tpu.memory_space<vmem>> -> memref<128xi32, #tpu.memory_space<vmem>>
    %dma_start3A_137 = arith.constant 0 : i32
    %dma_start3A_138 = arith.constant 0 : i32
    %dma_start3A_139 = tpu.memref_slice %arg13[%dma_start3A_137, %dma_start3A_138] : memref<2048x64xf32, #tpu.memory_space<vmem_shared>> -> memref<2048x64xf32, #tpu.memory_space<vmem_shared>>
    tpu.enqueue_indirect_dma source(%dma_start3A_139 : memref<2048x64xf32, #tpu.memory_space<vmem_shared>>) target(%dma_start3A_129 : memref<128x64xf32, #tpu.memory_space<vmem>>) offsets(%dma_start3A_136 : memref<128xi32, #tpu.memory_space<vmem>>) semaphore(%arg7 : memref<!tpu.dma_semaphore, #tpu.memory_space<semaphore_mem>>)
    %dma_start3A_140 = arith.constant 0 : i32
    %dma_start3A_141 = arith.constant 4 : i32
    %dma_start3A_142 = arith.constant 0 : i32
    %dma_start3A_143 = arith.constant 4 : i32
    %dma_start3A_144 = arith.constant 0 : i32
    %dma_start3A_145 = arith.constant 0 : i32
    %dma_start3A_146 = arith.constant 0 : i32
    %dma_start3A_147 = tpu.memref_slice %arg6[%dma_start3A_142, %dma_start3A_144, %dma_start3A_145, %dma_start3A_146] : memref<2x5x128x64xf32, #tpu.memory_space<vmem>> -> memref<1x5x128x64xf32, #tpu.memory_space<vmem>>
    %dma_start3A_148 = tpu.memref_squeeze %dma_start3A_147 : memref<1x5x128x64xf32, #tpu.memory_space<vmem>> -> memref<5x128x64xf32, #tpu.memory_space<vmem>>
    %dma_start3A_149 = arith.constant 0 : i32
    %dma_start3A_150 = arith.constant 0 : i32
    %dma_start3A_151 = tpu.memref_slice %dma_start3A_148[%dma_start3A_143, %dma_start3A_149, %dma_start3A_150] : memref<5x128x64xf32, #tpu.memory_space<vmem>> -> memref<1x128x64xf32, #tpu.memory_space<vmem>>
    %dma_start3A_152 = tpu.memref_squeeze %dma_start3A_151 : memref<1x128x64xf32, #tpu.memory_space<vmem>> -> memref<128x64xf32, #tpu.memory_space<vmem>>
    %dma_start3A_153 = arith.constant 0 : i32
    %dma_start3A_154 = arith.constant 0 : i32
    %dma_start3A_155 = tpu.memref_slice %arg5[%dma_start3A_140, %dma_start3A_153, %dma_start3A_154] : memref<2x5x128xi32, #tpu.memory_space<vmem>> -> memref<1x5x128xi32, #tpu.memory_space<vmem>>
    %dma_start3A_156 = tpu.memref_squeeze %dma_start3A_155 : memref<1x5x128xi32, #tpu.memory_space<vmem>> -> memref<5x128xi32, #tpu.memory_space<vmem>>
    %dma_start3A_157 = arith.constant 0 : i32
    %dma_start3A_158 = tpu.memref_slice %dma_start3A_156[%dma_start3A_141, %dma_start3A_157] : memref<5x128xi32, #tpu.memory_space<vmem>> -> memref<1x128xi32, #tpu.memory_space<vmem>>
    %dma_start3A_159 = tpu.memref_squeeze %dma_start3A_158 : memref<1x128xi32, #tpu.memory_space<vmem>> -> memref<128xi32, #tpu.memory_space<vmem>>
    %dma_start3A_160 = arith.constant 0 : i32
    %dma_start3A_161 = arith.constant 0 : i32
    %dma_start3A_162 = tpu.memref_slice %arg13[%dma_start3A_160, %dma_start3A_161] : memref<2048x64xf32, #tpu.memory_space<vmem_shared>> -> memref<2048x64xf32, #tpu.memory_space<vmem_shared>>
    tpu.enqueue_indirect_dma source(%dma_start3A_162 : memref<2048x64xf32, #tpu.memory_space<vmem_shared>>) target(%dma_start3A_152 : memref<128x64xf32, #tpu.memory_space<vmem>>) offsets(%dma_start3A_159 : memref<128xi32, #tpu.memory_space<vmem>>) semaphore(%arg7 : memref<!tpu.dma_semaphore, #tpu.memory_space<semaphore_mem>>)
    %add3A_163 = arith.constant 5 : i32
    %add3A_164 = arith.addi %mul3A_2, %add3A_163 : i32
    %dma_wait3A_165 = arith.constant 1 : i32
    %dma_wait3A_166 = arith.constant 0 : i32
    %dma_wait3A_167 = arith.constant 0 : i32
    %dma_wait3A_168 = tpu.memref_slice %arg5[%dma_wait3A_165, %dma_wait3A_166, %dma_wait3A_167] : memref<2x5x128xi32, #tpu.memory_space<vmem>> -> memref<1x5x128xi32, #tpu.memory_space<vmem>>
    %dma_wait3A_169 = tpu.memref_squeeze %dma_wait3A_168 : memref<1x5x128xi32, #tpu.memory_space<vmem>> -> memref<5x128xi32, #tpu.memory_space<vmem>>
    %dma_wait3A_170 = arith.constant 0 : i32
    %dma_wait3A_171 = tpu.memref_slice %arg2[%add3A_164, %dma_wait3A_170] : memref<25600x128xi32, #tpu.memory_space<hbm>> -> memref<5x128xi32, #tpu.memory_space<hbm>>
    %dma_wait3A_172 = arith.constant 0 : i32
    %dma_wait3A_173 = arith.constant 0 : i32
    %dma_wait3A_174 = tpu.memref_slice %arg5[%dma_wait3A_165, %dma_wait3A_172, %dma_wait3A_173] : memref<2x5x128xi32, #tpu.memory_space<vmem>> -> memref<1x5x128xi32, #tpu.memory_space<vmem>>
    %dma_wait3A_175 = tpu.memref_squeeze %dma_wait3A_174 : memref<1x5x128xi32, #tpu.memory_space<vmem>> -> memref<5x128xi32, #tpu.memory_space<vmem>>
    %dma_wait3A_176 = arith.constant 0 : i32
    %dma_wait3A_177 = tpu.memref_slice %arg2[%add3A_164, %dma_wait3A_176] : memref<25600x128xi32, #tpu.memory_space<hbm>> -> memref<5x128xi32, #tpu.memory_space<hbm>>
    tpu.wait_dma2 semaphore(%arg12 : memref<!tpu.dma_semaphore, #tpu.memory_space<semaphore_mem>>) src(%dma_wait3A_177 : memref<5x128xi32, #tpu.memory_space<hbm>>) dst(%dma_wait3A_175 : memref<5x128xi32, #tpu.memory_space<vmem>>)
    %dma_start3A_178 = arith.constant 1 : i32
    %dma_start3A_179 = arith.constant 0 : i32
    %dma_start3A_180 = arith.constant 1 : i32
    %dma_start3A_181 = arith.constant 0 : i32
    %dma_start3A_182 = arith.constant 0 : i32
    %dma_start3A_183 = arith.constant 0 : i32
    %dma_start3A_184 = arith.constant 0 : i32
    %dma_start3A_185 = tpu.memref_slice %arg6[%dma_start3A_180, %dma_start3A_182, %dma_start3A_183, %dma_start3A_184] : memref<2x5x128x64xf32, #tpu.memory_space<vmem>> -> memref<1x5x128x64xf32, #tpu.memory_space<vmem>>
    %dma_start3A_186 = tpu.memref_squeeze %dma_start3A_185 : memref<1x5x128x64xf32, #tpu.memory_space<vmem>> -> memref<5x128x64xf32, #tpu.memory_space<vmem>>
    %dma_start3A_187 = arith.constant 0 : i32
    %dma_start3A_188 = arith.constant 0 : i32
    %dma_start3A_189 = tpu.memref_slice %dma_start3A_186[%dma_start3A_181, %dma_start3A_187, %dma_start3A_188] : memref<5x128x64xf32, #tpu.memory_space<vmem>> -> memref<1x128x64xf32, #tpu.memory_space<vmem>>
    %dma_start3A_190 = tpu.memref_squeeze %dma_start3A_189 : memref<1x128x64xf32, #tpu.memory_space<vmem>> -> memref<128x64xf32, #tpu.memory_space<vmem>>
    %dma_start3A_191 = arith.constant 0 : i32
    %dma_start3A_192 = arith.constant 0 : i32
    %dma_start3A_193 = tpu.memref_slice %arg5[%dma_start3A_178, %dma_start3A_191, %dma_start3A_192] : memref<2x5x128xi32, #tpu.memory_space<vmem>> -> memref<1x5x128xi32, #tpu.memory_space<vmem>>
    %dma_start3A_194 = tpu.memref_squeeze %dma_start3A_193 : memref<1x5x128xi32, #tpu.memory_space<vmem>> -> memref<5x128xi32, #tpu.memory_space<vmem>>
    %dma_start3A_195 = arith.constant 0 : i32
    %dma_start3A_196 = tpu.memref_slice %dma_start3A_194[%dma_start3A_179, %dma_start3A_195] : memref<5x128xi32, #tpu.memory_space<vmem>> -> memref<1x128xi32, #tpu.memory_space<vmem>>
    %dma_start3A_197 = tpu.memref_squeeze %dma_start3A_196 : memref<1x128xi32, #tpu.memory_space<vmem>> -> memref<128xi32, #tpu.memory_space<vmem>>
    %dma_start3A_198 = arith.constant 0 : i32
    %dma_start3A_199 = arith.constant 0 : i32
    %dma_start3A_200 = tpu.memref_slice %arg13[%dma_start3A_198, %dma_start3A_199] : memref<2048x64xf32, #tpu.memory_space<vmem_shared>> -> memref<2048x64xf32, #tpu.memory_space<vmem_shared>>
    tpu.enqueue_indirect_dma source(%dma_start3A_200 : memref<2048x64xf32, #tpu.memory_space<vmem_shared>>) target(%dma_start3A_190 : memref<128x64xf32, #tpu.memory_space<vmem>>) offsets(%dma_start3A_197 : memref<128xi32, #tpu.memory_space<vmem>>) semaphore(%arg8 : memref<!tpu.dma_semaphore, #tpu.memory_space<semaphore_mem>>)
    %dma_start3A_201 = arith.constant 1 : i32
    %dma_start3A_202 = arith.constant 1 : i32
    %dma_start3A_203 = arith.constant 1 : i32
    %dma_start3A_204 = arith.constant 1 : i32
    %dma_start3A_205 = arith.constant 0 : i32
    %dma_start3A_206 = arith.constant 0 : i32
    %dma_start3A_207 = arith.constant 0 : i32
    %dma_start3A_208 = tpu.memref_slice %arg6[%dma_start3A_203, %dma_start3A_205, %dma_start3A_206, %dma_start3A_207] : memref<2x5x128x64xf32, #tpu.memory_space<vmem>> -> memref<1x5x128x64xf32, #tpu.memory_space<vmem>>
    %dma_start3A_209 = tpu.memref_squeeze %dma_start3A_208 : memref<1x5x128x64xf32, #tpu.memory_space<vmem>> -> memref<5x128x64xf32, #tpu.memory_space<vmem>>
    %dma_start3A_210 = arith.constant 0 : i32
    %dma_start3A_211 = arith.constant 0 : i32
    %dma_start3A_212 = tpu.memref_slice %dma_start3A_209[%dma_start3A_204, %dma_start3A_210, %dma_start3A_211] : memref<5x128x64xf32, #tpu.memory_space<vmem>> -> memref<1x128x64xf32, #tpu.memory_space<vmem>>
    %dma_start3A_213 = tpu.memref_squeeze %dma_start3A_212 : memref<1x128x64xf32, #tpu.memory_space<vmem>> -> memref<128x64xf32, #tpu.memory_space<vmem>>
    %dma_start3A_214 = arith.constant 0 : i32
    %dma_start3A_215 = arith.constant 0 : i32
    %dma_start3A_216 = tpu.memref_slice %arg5[%dma_start3A_201, %dma_start3A_214, %dma_start3A_215] : memref<2x5x128xi32, #tpu.memory_space<vmem>> -> memref<1x5x128xi32, #tpu.memory_space<vmem>>
    %dma_start3A_217 = tpu.memref_squeeze %dma_start3A_216 : memref<1x5x128xi32, #tpu.memory_space<vmem>> -> memref<5x128xi32, #tpu.memory_space<vmem>>
    %dma_start3A_218 = arith.constant 0 : i32
    %dma_start3A_219 = tpu.memref_slice %dma_start3A_217[%dma_start3A_202, %dma_start3A_218] : memref<5x128xi32, #tpu.memory_space<vmem>> -> memref<1x128xi32, #tpu.memory_space<vmem>>
    %dma_start3A_220 = tpu.memref_squeeze %dma_start3A_219 : memref<1x128xi32, #tpu.memory_space<vmem>> -> memref<128xi32, #tpu.memory_space<vmem>>
    %dma_start3A_221 = arith.constant 0 : i32
    %dma_start3A_222 = arith.constant 0 : i32
    %dma_start3A_223 = tpu.memref_slice %arg13[%dma_start3A_221, %dma_start3A_222] : memref<2048x64xf32, #tpu.memory_space<vmem_shared>> -> memref<2048x64xf32, #tpu.memory_space<vmem_shared>>
    tpu.enqueue_indirect_dma source(%dma_start3A_223 : memref<2048x64xf32, #tpu.memory_space<vmem_shared>>) target(%dma_start3A_213 : memref<128x64xf32, #tpu.memory_space<vmem>>) offsets(%dma_start3A_220 : memref<128xi32, #tpu.memory_space<vmem>>) semaphore(%arg8 : memref<!tpu.dma_semaphore, #tpu.memory_space<semaphore_mem>>)
    %dma_start3A_224 = arith.constant 1 : i32
    %dma_start3A_225 = arith.constant 2 : i32
    %dma_start3A_226 = arith.constant 1 : i32
    %dma_start3A_227 = arith.constant 2 : i32
    %dma_start3A_228 = arith.constant 0 : i32
    %dma_start3A_229 = arith.constant 0 : i32
    %dma_start3A_230 = arith.constant 0 : i32
    %dma_start3A_231 = tpu.memref_slice %arg6[%dma_start3A_226, %dma_start3A_228, %dma_start3A_229, %dma_start3A_230] : memref<2x5x128x64xf32, #tpu.memory_space<vmem>> -> memref<1x5x128x64xf32, #tpu.memory_space<vmem>>
    %dma_start3A_232 = tpu.memref_squeeze %dma_start3A_231 : memref<1x5x128x64xf32, #tpu.memory_space<vmem>> -> memref<5x128x64xf32, #tpu.memory_space<vmem>>
    %dma_start3A_233 = arith.constant 0 : i32
    %dma_start3A_234 = arith.constant 0 : i32
    %dma_start3A_235 = tpu.memref_slice %dma_start3A_232[%dma_start3A_227, %dma_start3A_233, %dma_start3A_234] : memref<5x128x64xf32, #tpu.memory_space<vmem>> -> memref<1x128x64xf32, #tpu.memory_space<vmem>>
    %dma_start3A_236 = tpu.memref_squeeze %dma_start3A_235 : memref<1x128x64xf32, #tpu.memory_space<vmem>> -> memref<128x64xf32, #tpu.memory_space<vmem>>
    %dma_start3A_237 = arith.constant 0 : i32
    %dma_start3A_238 = arith.constant 0 : i32
    %dma_start3A_239 = tpu.memref_slice %arg5[%dma_start3A_224, %dma_start3A_237, %dma_start3A_238] : memref<2x5x128xi32, #tpu.memory_space<vmem>> -> memref<1x5x128xi32, #tpu.memory_space<vmem>>
    %dma_start3A_240 = tpu.memref_squeeze %dma_start3A_239 : memref<1x5x128xi32, #tpu.memory_space<vmem>> -> memref<5x128xi32, #tpu.memory_space<vmem>>
    %dma_start3A_241 = arith.constant 0 : i32
    %dma_start3A_242 = tpu.memref_slice %dma_start3A_240[%dma_start3A_225, %dma_start3A_241] : memref<5x128xi32, #tpu.memory_space<vmem>> -> memref<1x128xi32, #tpu.memory_space<vmem>>
    %dma_start3A_243 = tpu.memref_squeeze %dma_start3A_242 : memref<1x128xi32, #tpu.memory_space<vmem>> -> memref<128xi32, #tpu.memory_space<vmem>>
    %dma_start3A_244 = arith.constant 0 : i32
    %dma_start3A_245 = arith.constant 0 : i32
    %dma_start3A_246 = tpu.memref_slice %arg13[%dma_start3A_244, %dma_start3A_245] : memref<2048x64xf32, #tpu.memory_space<vmem_shared>> -> memref<2048x64xf32, #tpu.memory_space<vmem_shared>>
    tpu.enqueue_indirect_dma source(%dma_start3A_246 : memref<2048x64xf32, #tpu.memory_space<vmem_shared>>) target(%dma_start3A_236 : memref<128x64xf32, #tpu.memory_space<vmem>>) offsets(%dma_start3A_243 : memref<128xi32, #tpu.memory_space<vmem>>) semaphore(%arg8 : memref<!tpu.dma_semaphore, #tpu.memory_space<semaphore_mem>>)
    %dma_start3A_247 = arith.constant 1 : i32
    %dma_start3A_248 = arith.constant 3 : i32
    %dma_start3A_249 = arith.constant 1 : i32
    %dma_start3A_250 = arith.constant 3 : i32
    %dma_start3A_251 = arith.constant 0 : i32
    %dma_start3A_252 = arith.constant 0 : i32
    %dma_start3A_253 = arith.constant 0 : i32
    %dma_start3A_254 = tpu.memref_slice %arg6[%dma_start3A_249, %dma_start3A_251, %dma_start3A_252, %dma_start3A_253] : memref<2x5x128x64xf32, #tpu.memory_space<vmem>> -> memref<1x5x128x64xf32, #tpu.memory_space<vmem>>
    %dma_start3A_255 = tpu.memref_squeeze %dma_start3A_254 : memref<1x5x128x64xf32, #tpu.memory_space<vmem>> -> memref<5x128x64xf32, #tpu.memory_space<vmem>>
    %dma_start3A_256 = arith.constant 0 : i32
    %dma_start3A_257 = arith.constant 0 : i32
    %dma_start3A_258 = tpu.memref_slice %dma_start3A_255[%dma_start3A_250, %dma_start3A_256, %dma_start3A_257] : memref<5x128x64xf32, #tpu.memory_space<vmem>> -> memref<1x128x64xf32, #tpu.memory_space<vmem>>
    %dma_start3A_259 = tpu.memref_squeeze %dma_start3A_258 : memref<1x128x64xf32, #tpu.memory_space<vmem>> -> memref<128x64xf32, #tpu.memory_space<vmem>>
    %dma_start3A_260 = arith.constant 0 : i32
    %dma_start3A_261 = arith.constant 0 : i32
    %dma_start3A_262 = tpu.memref_slice %arg5[%dma_start3A_247, %dma_start3A_260, %dma_start3A_261] : memref<2x5x128xi32, #tpu.memory_space<vmem>> -> memref<1x5x128xi32, #tpu.memory_space<vmem>>
    %dma_start3A_263 = tpu.memref_squeeze %dma_start3A_262 : memref<1x5x128xi32, #tpu.memory_space<vmem>> -> memref<5x128xi32, #tpu.memory_space<vmem>>
    %dma_start3A_264 = arith.constant 0 : i32
    %dma_start3A_265 = tpu.memref_slice %dma_start3A_263[%dma_start3A_248, %dma_start3A_264] : memref<5x128xi32, #tpu.memory_space<vmem>> -> memref<1x128xi32, #tpu.memory_space<vmem>>
    %dma_start3A_266 = tpu.memref_squeeze %dma_start3A_265 : memref<1x128xi32, #tpu.memory_space<vmem>> -> memref<128xi32, #tpu.memory_space<vmem>>
    %dma_start3A_267 = arith.constant 0 : i32
    %dma_start3A_268 = arith.constant 0 : i32
    %dma_start3A_269 = tpu.memref_slice %arg13[%dma_start3A_267, %dma_start3A_268] : memref<2048x64xf32, #tpu.memory_space<vmem_shared>> -> memref<2048x64xf32, #tpu.memory_space<vmem_shared>>
    tpu.enqueue_indirect_dma source(%dma_start3A_269 : memref<2048x64xf32, #tpu.memory_space<vmem_shared>>) target(%dma_start3A_259 : memref<128x64xf32, #tpu.memory_space<vmem>>) offsets(%dma_start3A_266 : memref<128xi32, #tpu.memory_space<vmem>>) semaphore(%arg8 : memref<!tpu.dma_semaphore, #tpu.memory_space<semaphore_mem>>)
    %dma_start3A_270 = arith.constant 1 : i32
    %dma_start3A_271 = arith.constant 4 : i32
    %dma_start3A_272 = arith.constant 1 : i32
    %dma_start3A_273 = arith.constant 4 : i32
    %dma_start3A_274 = arith.constant 0 : i32
    %dma_start3A_275 = arith.constant 0 : i32
    %dma_start3A_276 = arith.constant 0 : i32
    %dma_start3A_277 = tpu.memref_slice %arg6[%dma_start3A_272, %dma_start3A_274, %dma_start3A_275, %dma_start3A_276] : memref<2x5x128x64xf32, #tpu.memory_space<vmem>> -> memref<1x5x128x64xf32, #tpu.memory_space<vmem>>
    %dma_start3A_278 = tpu.memref_squeeze %dma_start3A_277 : memref<1x5x128x64xf32, #tpu.memory_space<vmem>> -> memref<5x128x64xf32, #tpu.memory_space<vmem>>
    %dma_start3A_279 = arith.constant 0 : i32
    %dma_start3A_280 = arith.constant 0 : i32
    %dma_start3A_281 = tpu.memref_slice %dma_start3A_278[%dma_start3A_273, %dma_start3A_279, %dma_start3A_280] : memref<5x128x64xf32, #tpu.memory_space<vmem>> -> memref<1x128x64xf32, #tpu.memory_space<vmem>>
    %dma_start3A_282 = tpu.memref_squeeze %dma_start3A_281 : memref<1x128x64xf32, #tpu.memory_space<vmem>> -> memref<128x64xf32, #tpu.memory_space<vmem>>
    %dma_start3A_283 = arith.constant 0 : i32
    %dma_start3A_284 = arith.constant 0 : i32
    %dma_start3A_285 = tpu.memref_slice %arg5[%dma_start3A_270, %dma_start3A_283, %dma_start3A_284] : memref<2x5x128xi32, #tpu.memory_space<vmem>> -> memref<1x5x128xi32, #tpu.memory_space<vmem>>
    %dma_start3A_286 = tpu.memref_squeeze %dma_start3A_285 : memref<1x5x128xi32, #tpu.memory_space<vmem>> -> memref<5x128xi32, #tpu.memory_space<vmem>>
    %dma_start3A_287 = arith.constant 0 : i32
    %dma_start3A_288 = tpu.memref_slice %dma_start3A_286[%dma_start3A_271, %dma_start3A_287] : memref<5x128xi32, #tpu.memory_space<vmem>> -> memref<1x128xi32, #tpu.memory_space<vmem>>
    %dma_start3A_289 = tpu.memref_squeeze %dma_start3A_288 : memref<1x128xi32, #tpu.memory_space<vmem>> -> memref<128xi32, #tpu.memory_space<vmem>>
    %dma_start3A_290 = arith.constant 0 : i32
    %dma_start3A_291 = arith.constant 0 : i32
    %dma_start3A_292 = tpu.memref_slice %arg13[%dma_start3A_290, %dma_start3A_291] : memref<2048x64xf32, #tpu.memory_space<vmem_shared>> -> memref<2048x64xf32, #tpu.memory_space<vmem_shared>>
    tpu.enqueue_indirect_dma source(%dma_start3A_292 : memref<2048x64xf32, #tpu.memory_space<vmem_shared>>) target(%dma_start3A_282 : memref<128x64xf32, #tpu.memory_space<vmem>>) offsets(%dma_start3A_289 : memref<128xi32, #tpu.memory_space<vmem>>) semaphore(%arg8 : memref<!tpu.dma_semaphore, #tpu.memory_space<semaphore_mem>>)
    %scan3A = arith.constant 0 : i32
    %scan3A_293 = arith.constant 0 : i32
    %scan3A_294 = arith.constant 79 : i32
    %scan3A_295 = arith.addi %scan3A_293, %scan3A_294 : i32
    %scan3A_296 = arith.constant 1 : i32
    scf.for %scan3A_412 = %scan3A_293 to %scan3A_295 step %scan3A_296  : i32 {
      %mul3A_413 = arith.constant 2 : i32
      %mul3A_414 = arith.muli %scan3A_412, %mul3A_413 : i32
      %add3A_415 = arith.constant 0 : i32
      %add3A_416 = arith.addi %mul3A_414, %add3A_415 : i32
      %mul3A_417 = arith.constant 5 : i32
      %mul3A_418 = arith.muli %add3A_416, %mul3A_417 : i32
      %add3A_419 = arith.addi %mul3A_2, %mul3A_418 : i32
      %dma_wait3A_420 = arith.constant 0 : i32
      %dma_wait3A_421 = arith.constant 0 : i32
      %dma_wait3A_422 = arith.constant 0 : i32
      %dma_wait3A_423 = arith.constant 0 : i32
      %dma_wait3A_424 = tpu.memref_slice %arg6[%dma_wait3A_420, %dma_wait3A_421, %dma_wait3A_422, %dma_wait3A_423] : memref<2x5x128x64xf32, #tpu.memory_space<vmem>> -> memref<1x5x128x64xf32, #tpu.memory_space<vmem>>
      %dma_wait3A_425 = tpu.memref_squeeze %dma_wait3A_424 : memref<1x5x128x64xf32, #tpu.memory_space<vmem>> -> memref<5x128x64xf32, #tpu.memory_space<vmem>>
      %dma_wait3A_426 = arith.constant 0 : i32
      %dma_wait3A_427 = arith.constant 0 : i32
      %dma_wait3A_428 = tpu.memref_slice %arg4[%add3A_419, %dma_wait3A_426, %dma_wait3A_427] : memref<25600x128x64xf32, #tpu.memory_space<hbm>> -> memref<5x128x64xf32, #tpu.memory_space<hbm>>
      %dma_wait3A_429 = arith.constant 0 : i32
      %dma_wait3A_430 = arith.constant 0 : i32
      %dma_wait3A_431 = arith.constant 0 : i32
      %dma_wait3A_432 = tpu.memref_slice %arg6[%dma_wait3A_420, %dma_wait3A_429, %dma_wait3A_430, %dma_wait3A_431] : memref<2x5x128x64xf32, #tpu.memory_space<vmem>> -> memref<1x5x128x64xf32, #tpu.memory_space<vmem>>
      %dma_wait3A_433 = tpu.memref_squeeze %dma_wait3A_432 : memref<1x5x128x64xf32, #tpu.memory_space<vmem>> -> memref<5x128x64xf32, #tpu.memory_space<vmem>>
      %dma_wait3A_434 = arith.constant 0 : i32
      %dma_wait3A_435 = arith.constant 0 : i32
      %dma_wait3A_436 = tpu.memref_slice %arg4[%add3A_419, %dma_wait3A_434, %dma_wait3A_435] : memref<25600x128x64xf32, #tpu.memory_space<hbm>> -> memref<5x128x64xf32, #tpu.memory_space<hbm>>
      tpu.wait_dma2 semaphore(%arg7 : memref<!tpu.dma_semaphore, #tpu.memory_space<semaphore_mem>>) src(%dma_wait3A_436 : memref<5x128x64xf32, #tpu.memory_space<hbm>>) dst(%dma_wait3A_433 : memref<5x128x64xf32, #tpu.memory_space<vmem>>)
      %mul3A_437 = arith.constant 5 : i32
      %mul3A_438 = arith.muli %add3A_416, %mul3A_437 : i32
      %add3A_439 = arith.addi %mul3A_2, %mul3A_438 : i32
      %dma_start3A_440 = arith.constant 0 : i32
      %dma_start3A_441 = arith.constant 0 : i32
      %dma_start3A_442 = arith.constant 0 : i32
      %dma_start3A_443 = arith.constant 0 : i32
      %dma_start3A_444 = tpu.memref_slice %arg6[%dma_start3A_440, %dma_start3A_441, %dma_start3A_442, %dma_start3A_443] : memref<2x5x128x64xf32, #tpu.memory_space<vmem>> -> memref<1x5x128x64xf32, #tpu.memory_space<vmem>>
      %dma_start3A_445 = tpu.memref_squeeze %dma_start3A_444 : memref<1x5x128x64xf32, #tpu.memory_space<vmem>> -> memref<5x128x64xf32, #tpu.memory_space<vmem>>
      %dma_start3A_446 = arith.constant 0 : i32
      %dma_start3A_447 = arith.constant 0 : i32
      %dma_start3A_448 = tpu.memref_slice %arg4[%add3A_439, %dma_start3A_446, %dma_start3A_447] : memref<25600x128x64xf32, #tpu.memory_space<hbm>> -> memref<5x128x64xf32, #tpu.memory_space<hbm>>
      %dma_start3A_449 = arith.constant 0 : i32
      %dma_start3A_450 = arith.constant 0 : i32
      %dma_start3A_451 = tpu.memref_slice %arg4[%add3A_439, %dma_start3A_449, %dma_start3A_450] : memref<25600x128x64xf32, #tpu.memory_space<hbm>> -> memref<5x128x64xf32, #tpu.memory_space<hbm>>
      %dma_start3A_452 = arith.constant 0 : i32
      %dma_start3A_453 = arith.constant 0 : i32
      %dma_start3A_454 = arith.constant 0 : i32
      %dma_start3A_455 = tpu.memref_slice %arg6[%dma_start3A_440, %dma_start3A_452, %dma_start3A_453, %dma_start3A_454] : memref<2x5x128x64xf32, #tpu.memory_space<vmem>> -> memref<1x5x128x64xf32, #tpu.memory_space<vmem>>
      %dma_start3A_456 = tpu.memref_squeeze %dma_start3A_455 : memref<1x5x128x64xf32, #tpu.memory_space<vmem>> -> memref<5x128x64xf32, #tpu.memory_space<vmem>>
      tpu.enqueue_dma source(%dma_start3A_456 : memref<5x128x64xf32, #tpu.memory_space<vmem>>) target(%dma_start3A_451 : memref<5x128x64xf32, #tpu.memory_space<hbm>>) target_semaphore(%arg9 : memref<!tpu.dma_semaphore, #tpu.memory_space<semaphore_mem>>)
      %add3A_457 = arith.constant 2 : i32
      %add3A_458 = arith.addi %add3A_416, %add3A_457 : i32
      %mul3A_459 = arith.constant 5 : i32
      %mul3A_460 = arith.muli %add3A_458, %mul3A_459 : i32
      %add3A_461 = arith.addi %mul3A_2, %mul3A_460 : i32
      %dma_start3A_462 = arith.constant 0 : i32
      %dma_start3A_463 = arith.constant 0 : i32
      %dma_start3A_464 = arith.constant 0 : i32
      %dma_start3A_465 = tpu.memref_slice %arg5[%dma_start3A_462, %dma_start3A_463, %dma_start3A_464] : memref<2x5x128xi32, #tpu.memory_space<vmem>> -> memref<1x5x128xi32, #tpu.memory_space<vmem>>
      %dma_start3A_466 = tpu.memref_squeeze %dma_start3A_465 : memref<1x5x128xi32, #tpu.memory_space<vmem>> -> memref<5x128xi32, #tpu.memory_space<vmem>>
      %dma_start3A_467 = arith.constant 0 : i32
      %dma_start3A_468 = tpu.memref_slice %arg2[%add3A_461, %dma_start3A_467] : memref<25600x128xi32, #tpu.memory_space<hbm>> -> memref<5x128xi32, #tpu.memory_space<hbm>>
      %dma_start3A_469 = arith.constant 0 : i32
      %dma_start3A_470 = arith.constant 0 : i32
      %dma_start3A_471 = tpu.memref_slice %arg5[%dma_start3A_462, %dma_start3A_469, %dma_start3A_470] : memref<2x5x128xi32, #tpu.memory_space<vmem>> -> memref<1x5x128xi32, #tpu.memory_space<vmem>>
      %dma_start3A_472 = tpu.memref_squeeze %dma_start3A_471 : memref<1x5x128xi32, #tpu.memory_space<vmem>> -> memref<5x128xi32, #tpu.memory_space<vmem>>
      %dma_start3A_473 = arith.constant 0 : i32
      %dma_start3A_474 = tpu.memref_slice %arg2[%add3A_461, %dma_start3A_473] : memref<25600x128xi32, #tpu.memory_space<hbm>> -> memref<5x128xi32, #tpu.memory_space<hbm>>
      tpu.enqueue_dma source(%dma_start3A_474 : memref<5x128xi32, #tpu.memory_space<hbm>>) target(%dma_start3A_472 : memref<5x128xi32, #tpu.memory_space<vmem>>) target_semaphore(%arg11 : memref<!tpu.dma_semaphore, #tpu.memory_space<semaphore_mem>>)
      %mul3A_475 = arith.constant 5 : i32
      %mul3A_476 = arith.muli %add3A_416, %mul3A_475 : i32
      %add3A_477 = arith.addi %mul3A_2, %mul3A_476 : i32
      %dma_wait3A_478 = arith.constant 0 : i32
      %dma_wait3A_479 = arith.constant 0 : i32
      %dma_wait3A_480 = arith.constant 0 : i32
      %dma_wait3A_481 = arith.constant 0 : i32
      %dma_wait3A_482 = tpu.memref_slice %arg6[%dma_wait3A_478, %dma_wait3A_479, %dma_wait3A_480, %dma_wait3A_481] : memref<2x5x128x64xf32, #tpu.memory_space<vmem>> -> memref<1x5x128x64xf32, #tpu.memory_space<vmem>>
      %dma_wait3A_483 = tpu.memref_squeeze %dma_wait3A_482 : memref<1x5x128x64xf32, #tpu.memory_space<vmem>> -> memref<5x128x64xf32, #tpu.memory_space<vmem>>
      %dma_wait3A_484 = arith.constant 0 : i32
      %dma_wait3A_485 = arith.constant 0 : i32
      %dma_wait3A_486 = tpu.memref_slice %arg4[%add3A_477, %dma_wait3A_484, %dma_wait3A_485] : memref<25600x128x64xf32, #tpu.memory_space<hbm>> -> memref<5x128x64xf32, #tpu.memory_space<hbm>>
      %dma_wait3A_487 = arith.constant 0 : i32
      %dma_wait3A_488 = arith.constant 0 : i32
      %dma_wait3A_489 = tpu.memref_slice %arg4[%add3A_477, %dma_wait3A_487, %dma_wait3A_488] : memref<25600x128x64xf32, #tpu.memory_space<hbm>> -> memref<5x128x64xf32, #tpu.memory_space<hbm>>
      %dma_wait3A_490 = arith.constant 0 : i32
      %dma_wait3A_491 = arith.constant 0 : i32
      %dma_wait3A_492 = arith.constant 0 : i32
      %dma_wait3A_493 = tpu.memref_slice %arg6[%dma_wait3A_478, %dma_wait3A_490, %dma_wait3A_491, %dma_wait3A_492] : memref<2x5x128x64xf32, #tpu.memory_space<vmem>> -> memref<1x5x128x64xf32, #tpu.memory_space<vmem>>
      %dma_wait3A_494 = tpu.memref_squeeze %dma_wait3A_493 : memref<1x5x128x64xf32, #tpu.memory_space<vmem>> -> memref<5x128x64xf32, #tpu.memory_space<vmem>>
      tpu.wait_dma2 semaphore(%arg9 : memref<!tpu.dma_semaphore, #tpu.memory_space<semaphore_mem>>) src(%dma_wait3A_494 : memref<5x128x64xf32, #tpu.memory_space<vmem>>) dst(%dma_wait3A_489 : memref<5x128x64xf32, #tpu.memory_space<hbm>>)
      %add3A_495 = arith.constant 2 : i32
      %add3A_496 = arith.addi %add3A_416, %add3A_495 : i32
      %mul3A_497 = arith.constant 5 : i32
      %mul3A_498 = arith.muli %add3A_496, %mul3A_497 : i32
      %add3A_499 = arith.addi %mul3A_2, %mul3A_498 : i32
      %dma_wait3A_500 = arith.constant 0 : i32
      %dma_wait3A_501 = arith.constant 0 : i32
      %dma_wait3A_502 = arith.constant 0 : i32
      %dma_wait3A_503 = tpu.memref_slice %arg5[%dma_wait3A_500, %dma_wait3A_501, %dma_wait3A_502] : memref<2x5x128xi32, #tpu.memory_space<vmem>> -> memref<1x5x128xi32, #tpu.memory_space<vmem>>
      %dma_wait3A_504 = tpu.memref_squeeze %dma_wait3A_503 : memref<1x5x128xi32, #tpu.memory_space<vmem>> -> memref<5x128xi32, #tpu.memory_space<vmem>>
      %dma_wait3A_505 = arith.constant 0 : i32
      %dma_wait3A_506 = tpu.memref_slice %arg2[%add3A_499, %dma_wait3A_505] : memref<25600x128xi32, #tpu.memory_space<hbm>> -> memref<5x128xi32, #tpu.memory_space<hbm>>
      %dma_wait3A_507 = arith.constant 0 : i32
      %dma_wait3A_508 = arith.constant 0 : i32
      %dma_wait3A_509 = tpu.memref_slice %arg5[%dma_wait3A_500, %dma_wait3A_507, %dma_wait3A_508] : memref<2x5x128xi32, #tpu.memory_space<vmem>> -> memref<1x5x128xi32, #tpu.memory_space<vmem>>
      %dma_wait3A_510 = tpu.memref_squeeze %dma_wait3A_509 : memref<1x5x128xi32, #tpu.memory_space<vmem>> -> memref<5x128xi32, #tpu.memory_space<vmem>>
      %dma_wait3A_511 = arith.constant 0 : i32
      %dma_wait3A_512 = tpu.memref_slice %arg2[%add3A_499, %dma_wait3A_511] : memref<25600x128xi32, #tpu.memory_space<hbm>> -> memref<5x128xi32, #tpu.memory_space<hbm>>
      tpu.wait_dma2 semaphore(%arg11 : memref<!tpu.dma_semaphore, #tpu.memory_space<semaphore_mem>>) src(%dma_wait3A_512 : memref<5x128xi32, #tpu.memory_space<hbm>>) dst(%dma_wait3A_510 : memref<5x128xi32, #tpu.memory_space<vmem>>)
      %dma_start3A_513 = arith.constant 0 : i32
      %dma_start3A_514 = arith.constant 0 : i32
      %dma_start3A_515 = arith.constant 0 : i32
      %dma_start3A_516 = arith.constant 0 : i32
      %dma_start3A_517 = arith.constant 0 : i32
      %dma_start3A_518 = arith.constant 0 : i32
      %dma_start3A_519 = arith.constant 0 : i32
      %dma_start3A_520 = tpu.memref_slice %arg6[%dma_start3A_515, %dma_start3A_517, %dma_start3A_518, %dma_start3A_519] : memref<2x5x128x64xf32, #tpu.memory_space<vmem>> -> memref<1x5x128x64xf32, #tpu.memory_space<vmem>>
      %dma_start3A_521 = tpu.memref_squeeze %dma_start3A_520 : memref<1x5x128x64xf32, #tpu.memory_space<vmem>> -> memref<5x128x64xf32, #tpu.memory_space<vmem>>
      %dma_start3A_522 = arith.constant 0 : i32
      %dma_start3A_523 = arith.constant 0 : i32
      %dma_start3A_524 = tpu.memref_slice %dma_start3A_521[%dma_start3A_516, %dma_start3A_522, %dma_start3A_523] : memref<5x128x64xf32, #tpu.memory_space<vmem>> -> memref<1x128x64xf32, #tpu.memory_space<vmem>>
      %dma_start3A_525 = tpu.memref_squeeze %dma_start3A_524 : memref<1x128x64xf32, #tpu.memory_space<vmem>> -> memref<128x64xf32, #tpu.memory_space<vmem>>
      %dma_start3A_526 = arith.constant 0 : i32
      %dma_start3A_527 = arith.constant 0 : i32
      %dma_start3A_528 = tpu.memref_slice %arg5[%dma_start3A_513, %dma_start3A_526, %dma_start3A_527] : memref<2x5x128xi32, #tpu.memory_space<vmem>> -> memref<1x5x128xi32, #tpu.memory_space<vmem>>
      %dma_start3A_529 = tpu.memref_squeeze %dma_start3A_528 : memref<1x5x128xi32, #tpu.memory_space<vmem>> -> memref<5x128xi32, #tpu.memory_space<vmem>>
      %dma_start3A_530 = arith.constant 0 : i32
      %dma_start3A_531 = tpu.memref_slice %dma_start3A_529[%dma_start3A_514, %dma_start3A_530] : memref<5x128xi32, #tpu.memory_space<vmem>> -> memref<1x128xi32, #tpu.memory_space<vmem>>
      %dma_start3A_532 = tpu.memref_squeeze %dma_start3A_531 : memref<1x128xi32, #tpu.memory_space<vmem>> -> memref<128xi32, #tpu.memory_space<vmem>>
      %dma_start3A_533 = arith.constant 0 : i32
      %dma_start3A_534 = arith.constant 0 : i32
      %dma_start3A_535 = tpu.memref_slice %arg13[%dma_start3A_533, %dma_start3A_534] : memref<2048x64xf32, #tpu.memory_space<vmem_shared>> -> memref<2048x64xf32, #tpu.memory_space<vmem_shared>>
      tpu.enqueue_indirect_dma source(%dma_start3A_535 : memref<2048x64xf32, #tpu.memory_space<vmem_shared>>) target(%dma_start3A_525 : memref<128x64xf32, #tpu.memory_space<vmem>>) offsets(%dma_start3A_532 : memref<128xi32, #tpu.memory_space<vmem>>) semaphore(%arg7 : memref<!tpu.dma_semaphore, #tpu.memory_space<semaphore_mem>>)
      %dma_start3A_536 = arith.constant 0 : i32
      %dma_start3A_537 = arith.constant 1 : i32
      %dma_start3A_538 = arith.constant 0 : i32
      %dma_start3A_539 = arith.constant 1 : i32
      %dma_start3A_540 = arith.constant 0 : i32
      %dma_start3A_541 = arith.constant 0 : i32
      %dma_start3A_542 = arith.constant 0 : i32
      %dma_start3A_543 = tpu.memref_slice %arg6[%dma_start3A_538, %dma_start3A_540, %dma_start3A_541, %dma_start3A_542] : memref<2x5x128x64xf32, #tpu.memory_space<vmem>> -> memref<1x5x128x64xf32, #tpu.memory_space<vmem>>
      %dma_start3A_544 = tpu.memref_squeeze %dma_start3A_543 : memref<1x5x128x64xf32, #tpu.memory_space<vmem>> -> memref<5x128x64xf32, #tpu.memory_space<vmem>>
      %dma_start3A_545 = arith.constant 0 : i32
      %dma_start3A_546 = arith.constant 0 : i32
      %dma_start3A_547 = tpu.memref_slice %dma_start3A_544[%dma_start3A_539, %dma_start3A_545, %dma_start3A_546] : memref<5x128x64xf32, #tpu.memory_space<vmem>> -> memref<1x128x64xf32, #tpu.memory_space<vmem>>
      %dma_start3A_548 = tpu.memref_squeeze %dma_start3A_547 : memref<1x128x64xf32, #tpu.memory_space<vmem>> -> memref<128x64xf32, #tpu.memory_space<vmem>>
      %dma_start3A_549 = arith.constant 0 : i32
      %dma_start3A_550 = arith.constant 0 : i32
      %dma_start3A_551 = tpu.memref_slice %arg5[%dma_start3A_536, %dma_start3A_549, %dma_start3A_550] : memref<2x5x128xi32, #tpu.memory_space<vmem>> -> memref<1x5x128xi32, #tpu.memory_space<vmem>>
      %dma_start3A_552 = tpu.memref_squeeze %dma_start3A_551 : memref<1x5x128xi32, #tpu.memory_space<vmem>> -> memref<5x128xi32, #tpu.memory_space<vmem>>
      %dma_start3A_553 = arith.constant 0 : i32
      %dma_start3A_554 = tpu.memref_slice %dma_start3A_552[%dma_start3A_537, %dma_start3A_553] : memref<5x128xi32, #tpu.memory_space<vmem>> -> memref<1x128xi32, #tpu.memory_space<vmem>>
      %dma_start3A_555 = tpu.memref_squeeze %dma_start3A_554 : memref<1x128xi32, #tpu.memory_space<vmem>> -> memref<128xi32, #tpu.memory_space<vmem>>
      %dma_start3A_556 = arith.constant 0 : i32
      %dma_start3A_557 = arith.constant 0 : i32
      %dma_start3A_558 = tpu.memref_slice %arg13[%dma_start3A_556, %dma_start3A_557] : memref<2048x64xf32, #tpu.memory_space<vmem_shared>> -> memref<2048x64xf32, #tpu.memory_space<vmem_shared>>
      tpu.enqueue_indirect_dma source(%dma_start3A_558 : memref<2048x64xf32, #tpu.memory_space<vmem_shared>>) target(%dma_start3A_548 : memref<128x64xf32, #tpu.memory_space<vmem>>) offsets(%dma_start3A_555 : memref<128xi32, #tpu.memory_space<vmem>>) semaphore(%arg7 : memref<!tpu.dma_semaphore, #tpu.memory_space<semaphore_mem>>)
      %dma_start3A_559 = arith.constant 0 : i32
      %dma_start3A_560 = arith.constant 2 : i32
      %dma_start3A_561 = arith.constant 0 : i32
      %dma_start3A_562 = arith.constant 2 : i32
      %dma_start3A_563 = arith.constant 0 : i32
      %dma_start3A_564 = arith.constant 0 : i32
      %dma_start3A_565 = arith.constant 0 : i32
      %dma_start3A_566 = tpu.memref_slice %arg6[%dma_start3A_561, %dma_start3A_563, %dma_start3A_564, %dma_start3A_565] : memref<2x5x128x64xf32, #tpu.memory_space<vmem>> -> memref<1x5x128x64xf32, #tpu.memory_space<vmem>>
      %dma_start3A_567 = tpu.memref_squeeze %dma_start3A_566 : memref<1x5x128x64xf32, #tpu.memory_space<vmem>> -> memref<5x128x64xf32, #tpu.memory_space<vmem>>
      %dma_start3A_568 = arith.constant 0 : i32
      %dma_start3A_569 = arith.constant 0 : i32
      %dma_start3A_570 = tpu.memref_slice %dma_start3A_567[%dma_start3A_562, %dma_start3A_568, %dma_start3A_569] : memref<5x128x64xf32, #tpu.memory_space<vmem>> -> memref<1x128x64xf32, #tpu.memory_space<vmem>>
      %dma_start3A_571 = tpu.memref_squeeze %dma_start3A_570 : memref<1x128x64xf32, #tpu.memory_space<vmem>> -> memref<128x64xf32, #tpu.memory_space<vmem>>
      %dma_start3A_572 = arith.constant 0 : i32
      %dma_start3A_573 = arith.constant 0 : i32
      %dma_start3A_574 = tpu.memref_slice %arg5[%dma_start3A_559, %dma_start3A_572, %dma_start3A_573] : memref<2x5x128xi32, #tpu.memory_space<vmem>> -> memref<1x5x128xi32, #tpu.memory_space<vmem>>
      %dma_start3A_575 = tpu.memref_squeeze %dma_start3A_574 : memref<1x5x128xi32, #tpu.memory_space<vmem>> -> memref<5x128xi32, #tpu.memory_space<vmem>>
      %dma_start3A_576 = arith.constant 0 : i32
      %dma_start3A_577 = tpu.memref_slice %dma_start3A_575[%dma_start3A_560, %dma_start3A_576] : memref<5x128xi32, #tpu.memory_space<vmem>> -> memref<1x128xi32, #tpu.memory_space<vmem>>
      %dma_start3A_578 = tpu.memref_squeeze %dma_start3A_577 : memref<1x128xi32, #tpu.memory_space<vmem>> -> memref<128xi32, #tpu.memory_space<vmem>>
      %dma_start3A_579 = arith.constant 0 : i32
      %dma_start3A_580 = arith.constant 0 : i32
      %dma_start3A_581 = tpu.memref_slice %arg13[%dma_start3A_579, %dma_start3A_580] : memref<2048x64xf32, #tpu.memory_space<vmem_shared>> -> memref<2048x64xf32, #tpu.memory_space<vmem_shared>>
      tpu.enqueue_indirect_dma source(%dma_start3A_581 : memref<2048x64xf32, #tpu.memory_space<vmem_shared>>) target(%dma_start3A_571 : memref<128x64xf32, #tpu.memory_space<vmem>>) offsets(%dma_start3A_578 : memref<128xi32, #tpu.memory_space<vmem>>) semaphore(%arg7 : memref<!tpu.dma_semaphore, #tpu.memory_space<semaphore_mem>>)
      %dma_start3A_582 = arith.constant 0 : i32
      %dma_start3A_583 = arith.constant 3 : i32
      %dma_start3A_584 = arith.constant 0 : i32
      %dma_start3A_585 = arith.constant 3 : i32
      %dma_start3A_586 = arith.constant 0 : i32
      %dma_start3A_587 = arith.constant 0 : i32
      %dma_start3A_588 = arith.constant 0 : i32
      %dma_start3A_589 = tpu.memref_slice %arg6[%dma_start3A_584, %dma_start3A_586, %dma_start3A_587, %dma_start3A_588] : memref<2x5x128x64xf32, #tpu.memory_space<vmem>> -> memref<1x5x128x64xf32, #tpu.memory_space<vmem>>
      %dma_start3A_590 = tpu.memref_squeeze %dma_start3A_589 : memref<1x5x128x64xf32, #tpu.memory_space<vmem>> -> memref<5x128x64xf32, #tpu.memory_space<vmem>>
      %dma_start3A_591 = arith.constant 0 : i32
      %dma_start3A_592 = arith.constant 0 : i32
      %dma_start3A_593 = tpu.memref_slice %dma_start3A_590[%dma_start3A_585, %dma_start3A_591, %dma_start3A_592] : memref<5x128x64xf32, #tpu.memory_space<vmem>> -> memref<1x128x64xf32, #tpu.memory_space<vmem>>
      %dma_start3A_594 = tpu.memref_squeeze %dma_start3A_593 : memref<1x128x64xf32, #tpu.memory_space<vmem>> -> memref<128x64xf32, #tpu.memory_space<vmem>>
      %dma_start3A_595 = arith.constant 0 : i32
      %dma_start3A_596 = arith.constant 0 : i32
      %dma_start3A_597 = tpu.memref_slice %arg5[%dma_start3A_582, %dma_start3A_595, %dma_start3A_596] : memref<2x5x128xi32, #tpu.memory_space<vmem>> -> memref<1x5x128xi32, #tpu.memory_space<vmem>>
      %dma_start3A_598 = tpu.memref_squeeze %dma_start3A_597 : memref<1x5x128xi32, #tpu.memory_space<vmem>> -> memref<5x128xi32, #tpu.memory_space<vmem>>
      %dma_start3A_599 = arith.constant 0 : i32
      %dma_start3A_600 = tpu.memref_slice %dma_start3A_598[%dma_start3A_583, %dma_start3A_599] : memref<5x128xi32, #tpu.memory_space<vmem>> -> memref<1x128xi32, #tpu.memory_space<vmem>>
      %dma_start3A_601 = tpu.memref_squeeze %dma_start3A_600 : memref<1x128xi32, #tpu.memory_space<vmem>> -> memref<128xi32, #tpu.memory_space<vmem>>
      %dma_start3A_602 = arith.constant 0 : i32
      %dma_start3A_603 = arith.constant 0 : i32
      %dma_start3A_604 = tpu.memref_slice %arg13[%dma_start3A_602, %dma_start3A_603] : memref<2048x64xf32, #tpu.memory_space<vmem_shared>> -> memref<2048x64xf32, #tpu.memory_space<vmem_shared>>
      tpu.enqueue_indirect_dma source(%dma_start3A_604 : memref<2048x64xf32, #tpu.memory_space<vmem_shared>>) target(%dma_start3A_594 : memref<128x64xf32, #tpu.memory_space<vmem>>) offsets(%dma_start3A_601 : memref<128xi32, #tpu.memory_space<vmem>>) semaphore(%arg7 : memref<!tpu.dma_semaphore, #tpu.memory_space<semaphore_mem>>)
      %dma_start3A_605 = arith.constant 0 : i32
      %dma_start3A_606 = arith.constant 4 : i32
      %dma_start3A_607 = arith.constant 0 : i32
      %dma_start3A_608 = arith.constant 4 : i32
      %dma_start3A_609 = arith.constant 0 : i32
      %dma_start3A_610 = arith.constant 0 : i32
      %dma_start3A_611 = arith.constant 0 : i32
      %dma_start3A_612 = tpu.memref_slice %arg6[%dma_start3A_607, %dma_start3A_609, %dma_start3A_610, %dma_start3A_611] : memref<2x5x128x64xf32, #tpu.memory_space<vmem>> -> memref<1x5x128x64xf32, #tpu.memory_space<vmem>>
      %dma_start3A_613 = tpu.memref_squeeze %dma_start3A_612 : memref<1x5x128x64xf32, #tpu.memory_space<vmem>> -> memref<5x128x64xf32, #tpu.memory_space<vmem>>
      %dma_start3A_614 = arith.constant 0 : i32
      %dma_start3A_615 = arith.constant 0 : i32
      %dma_start3A_616 = tpu.memref_slice %dma_start3A_613[%dma_start3A_608, %dma_start3A_614, %dma_start3A_615] : memref<5x128x64xf32, #tpu.memory_space<vmem>> -> memref<1x128x64xf32, #tpu.memory_space<vmem>>
      %dma_start3A_617 = tpu.memref_squeeze %dma_start3A_616 : memref<1x128x64xf32, #tpu.memory_space<vmem>> -> memref<128x64xf32, #tpu.memory_space<vmem>>
      %dma_start3A_618 = arith.constant 0 : i32
      %dma_start3A_619 = arith.constant 0 : i32
      %dma_start3A_620 = tpu.memref_slice %arg5[%dma_start3A_605, %dma_start3A_618, %dma_start3A_619] : memref<2x5x128xi32, #tpu.memory_space<vmem>> -> memref<1x5x128xi32, #tpu.memory_space<vmem>>
      %dma_start3A_621 = tpu.memref_squeeze %dma_start3A_620 : memref<1x5x128xi32, #tpu.memory_space<vmem>> -> memref<5x128xi32, #tpu.memory_space<vmem>>
      %dma_start3A_622 = arith.constant 0 : i32
      %dma_start3A_623 = tpu.memref_slice %dma_start3A_621[%dma_start3A_606, %dma_start3A_622] : memref<5x128xi32, #tpu.memory_space<vmem>> -> memref<1x128xi32, #tpu.memory_space<vmem>>
      %dma_start3A_624 = tpu.memref_squeeze %dma_start3A_623 : memref<1x128xi32, #tpu.memory_space<vmem>> -> memref<128xi32, #tpu.memory_space<vmem>>
      %dma_start3A_625 = arith.constant 0 : i32
      %dma_start3A_626 = arith.constant 0 : i32
      %dma_start3A_627 = tpu.memref_slice %arg13[%dma_start3A_625, %dma_start3A_626] : memref<2048x64xf32, #tpu.memory_space<vmem_shared>> -> memref<2048x64xf32, #tpu.memory_space<vmem_shared>>
      tpu.enqueue_indirect_dma source(%dma_start3A_627 : memref<2048x64xf32, #tpu.memory_space<vmem_shared>>) target(%dma_start3A_617 : memref<128x64xf32, #tpu.memory_space<vmem>>) offsets(%dma_start3A_624 : memref<128xi32, #tpu.memory_space<vmem>>) semaphore(%arg7 : memref<!tpu.dma_semaphore, #tpu.memory_space<semaphore_mem>>)
      %mul3A_628 = arith.constant 2 : i32
      %mul3A_629 = arith.muli %scan3A_412, %mul3A_628 : i32
      %add3A_630 = arith.constant 1 : i32
      %add3A_631 = arith.addi %mul3A_629, %add3A_630 : i32
      %mul3A_632 = arith.constant 5 : i32
      %mul3A_633 = arith.muli %add3A_631, %mul3A_632 : i32
      %add3A_634 = arith.addi %mul3A_2, %mul3A_633 : i32
      %dma_wait3A_635 = arith.constant 1 : i32
      %dma_wait3A_636 = arith.constant 0 : i32
      %dma_wait3A_637 = arith.constant 0 : i32
      %dma_wait3A_638 = arith.constant 0 : i32
      %dma_wait3A_639 = tpu.memref_slice %arg6[%dma_wait3A_635, %dma_wait3A_636, %dma_wait3A_637, %dma_wait3A_638] : memref<2x5x128x64xf32, #tpu.memory_space<vmem>> -> memref<1x5x128x64xf32, #tpu.memory_space<vmem>>
      %dma_wait3A_640 = tpu.memref_squeeze %dma_wait3A_639 : memref<1x5x128x64xf32, #tpu.memory_space<vmem>> -> memref<5x128x64xf32, #tpu.memory_space<vmem>>
      %dma_wait3A_641 = arith.constant 0 : i32
      %dma_wait3A_642 = arith.constant 0 : i32
      %dma_wait3A_643 = tpu.memref_slice %arg4[%add3A_634, %dma_wait3A_641, %dma_wait3A_642] : memref<25600x128x64xf32, #tpu.memory_space<hbm>> -> memref<5x128x64xf32, #tpu.memory_space<hbm>>
      %dma_wait3A_644 = arith.constant 0 : i32
      %dma_wait3A_645 = arith.constant 0 : i32
      %dma_wait3A_646 = arith.constant 0 : i32
      %dma_wait3A_647 = tpu.memref_slice %arg6[%dma_wait3A_635, %dma_wait3A_644, %dma_wait3A_645, %dma_wait3A_646] : memref<2x5x128x64xf32, #tpu.memory_space<vmem>> -> memref<1x5x128x64xf32, #tpu.memory_space<vmem>>
      %dma_wait3A_648 = tpu.memref_squeeze %dma_wait3A_647 : memref<1x5x128x64xf32, #tpu.memory_space<vmem>> -> memref<5x128x64xf32, #tpu.memory_space<vmem>>
      %dma_wait3A_649 = arith.constant 0 : i32
      %dma_wait3A_650 = arith.constant 0 : i32
      %dma_wait3A_651 = tpu.memref_slice %arg4[%add3A_634, %dma_wait3A_649, %dma_wait3A_650] : memref<25600x128x64xf32, #tpu.memory_space<hbm>> -> memref<5x128x64xf32, #tpu.memory_space<hbm>>
      tpu.wait_dma2 semaphore(%arg8 : memref<!tpu.dma_semaphore, #tpu.memory_space<semaphore_mem>>) src(%dma_wait3A_651 : memref<5x128x64xf32, #tpu.memory_space<hbm>>) dst(%dma_wait3A_648 : memref<5x128x64xf32, #tpu.memory_space<vmem>>)
      %mul3A_652 = arith.constant 5 : i32
      %mul3A_653 = arith.muli %add3A_631, %mul3A_652 : i32
      %add3A_654 = arith.addi %mul3A_2, %mul3A_653 : i32
      %dma_start3A_655 = arith.constant 1 : i32
      %dma_start3A_656 = arith.constant 0 : i32
      %dma_start3A_657 = arith.constant 0 : i32
      %dma_start3A_658 = arith.constant 0 : i32
      %dma_start3A_659 = tpu.memref_slice %arg6[%dma_start3A_655, %dma_start3A_656, %dma_start3A_657, %dma_start3A_658] : memref<2x5x128x64xf32, #tpu.memory_space<vmem>> -> memref<1x5x128x64xf32, #tpu.memory_space<vmem>>
      %dma_start3A_660 = tpu.memref_squeeze %dma_start3A_659 : memref<1x5x128x64xf32, #tpu.memory_space<vmem>> -> memref<5x128x64xf32, #tpu.memory_space<vmem>>
      %dma_start3A_661 = arith.constant 0 : i32
      %dma_start3A_662 = arith.constant 0 : i32
      %dma_start3A_663 = tpu.memref_slice %arg4[%add3A_654, %dma_start3A_661, %dma_start3A_662] : memref<25600x128x64xf32, #tpu.memory_space<hbm>> -> memref<5x128x64xf32, #tpu.memory_space<hbm>>
      %dma_start3A_664 = arith.constant 0 : i32
      %dma_start3A_665 = arith.constant 0 : i32
      %dma_start3A_666 = tpu.memref_slice %arg4[%add3A_654, %dma_start3A_664, %dma_start3A_665] : memref<25600x128x64xf32, #tpu.memory_space<hbm>> -> memref<5x128x64xf32, #tpu.memory_space<hbm>>
      %dma_start3A_667 = arith.constant 0 : i32
      %dma_start3A_668 = arith.constant 0 : i32
      %dma_start3A_669 = arith.constant 0 : i32
      %dma_start3A_670 = tpu.memref_slice %arg6[%dma_start3A_655, %dma_start3A_667, %dma_start3A_668, %dma_start3A_669] : memref<2x5x128x64xf32, #tpu.memory_space<vmem>> -> memref<1x5x128x64xf32, #tpu.memory_space<vmem>>
      %dma_start3A_671 = tpu.memref_squeeze %dma_start3A_670 : memref<1x5x128x64xf32, #tpu.memory_space<vmem>> -> memref<5x128x64xf32, #tpu.memory_space<vmem>>
      tpu.enqueue_dma source(%dma_start3A_671 : memref<5x128x64xf32, #tpu.memory_space<vmem>>) target(%dma_start3A_666 : memref<5x128x64xf32, #tpu.memory_space<hbm>>) target_semaphore(%arg10 : memref<!tpu.dma_semaphore, #tpu.memory_space<semaphore_mem>>)
      %add3A_672 = arith.constant 2 : i32
      %add3A_673 = arith.addi %add3A_631, %add3A_672 : i32
      %mul3A_674 = arith.constant 5 : i32
      %mul3A_675 = arith.muli %add3A_673, %mul3A_674 : i32
      %add3A_676 = arith.addi %mul3A_2, %mul3A_675 : i32
      %dma_start3A_677 = arith.constant 1 : i32
      %dma_start3A_678 = arith.constant 0 : i32
      %dma_start3A_679 = arith.constant 0 : i32
      %dma_start3A_680 = tpu.memref_slice %arg5[%dma_start3A_677, %dma_start3A_678, %dma_start3A_679] : memref<2x5x128xi32, #tpu.memory_space<vmem>> -> memref<1x5x128xi32, #tpu.memory_space<vmem>>
      %dma_start3A_681 = tpu.memref_squeeze %dma_start3A_680 : memref<1x5x128xi32, #tpu.memory_space<vmem>> -> memref<5x128xi32, #tpu.memory_space<vmem>>
      %dma_start3A_682 = arith.constant 0 : i32
      %dma_start3A_683 = tpu.memref_slice %arg2[%add3A_676, %dma_start3A_682] : memref<25600x128xi32, #tpu.memory_space<hbm>> -> memref<5x128xi32, #tpu.memory_space<hbm>>
      %dma_start3A_684 = arith.constant 0 : i32
      %dma_start3A_685 = arith.constant 0 : i32
      %dma_start3A_686 = tpu.memref_slice %arg5[%dma_start3A_677, %dma_start3A_684, %dma_start3A_685] : memref<2x5x128xi32, #tpu.memory_space<vmem>> -> memref<1x5x128xi32, #tpu.memory_space<vmem>>
      %dma_start3A_687 = tpu.memref_squeeze %dma_start3A_686 : memref<1x5x128xi32, #tpu.memory_space<vmem>> -> memref<5x128xi32, #tpu.memory_space<vmem>>
      %dma_start3A_688 = arith.constant 0 : i32
      %dma_start3A_689 = tpu.memref_slice %arg2[%add3A_676, %dma_start3A_688] : memref<25600x128xi32, #tpu.memory_space<hbm>> -> memref<5x128xi32, #tpu.memory_space<hbm>>
      tpu.enqueue_dma source(%dma_start3A_689 : memref<5x128xi32, #tpu.memory_space<hbm>>) target(%dma_start3A_687 : memref<5x128xi32, #tpu.memory_space<vmem>>) target_semaphore(%arg12 : memref<!tpu.dma_semaphore, #tpu.memory_space<semaphore_mem>>)
      %mul3A_690 = arith.constant 5 : i32
      %mul3A_691 = arith.muli %add3A_631, %mul3A_690 : i32
      %add3A_692 = arith.addi %mul3A_2, %mul3A_691 : i32
      %dma_wait3A_693 = arith.constant 1 : i32
      %dma_wait3A_694 = arith.constant 0 : i32
      %dma_wait3A_695 = arith.constant 0 : i32
      %dma_wait3A_696 = arith.constant 0 : i32
      %dma_wait3A_697 = tpu.memref_slice %arg6[%dma_wait3A_693, %dma_wait3A_694, %dma_wait3A_695, %dma_wait3A_696] : memref<2x5x128x64xf32, #tpu.memory_space<vmem>> -> memref<1x5x128x64xf32, #tpu.memory_space<vmem>>
      %dma_wait3A_698 = tpu.memref_squeeze %dma_wait3A_697 : memref<1x5x128x64xf32, #tpu.memory_space<vmem>> -> memref<5x128x64xf32, #tpu.memory_space<vmem>>
      %dma_wait3A_699 = arith.constant 0 : i32
      %dma_wait3A_700 = arith.constant 0 : i32
      %dma_wait3A_701 = tpu.memref_slice %arg4[%add3A_692, %dma_wait3A_699, %dma_wait3A_700] : memref<25600x128x64xf32, #tpu.memory_space<hbm>> -> memref<5x128x64xf32, #tpu.memory_space<hbm>>
      %dma_wait3A_702 = arith.constant 0 : i32
      %dma_wait3A_703 = arith.constant 0 : i32
      %dma_wait3A_704 = tpu.memref_slice %arg4[%add3A_692, %dma_wait3A_702, %dma_wait3A_703] : memref<25600x128x64xf32, #tpu.memory_space<hbm>> -> memref<5x128x64xf32, #tpu.memory_space<hbm>>
      %dma_wait3A_705 = arith.constant 0 : i32
      %dma_wait3A_706 = arith.constant 0 : i32
      %dma_wait3A_707 = arith.constant 0 : i32
      %dma_wait3A_708 = tpu.memref_slice %arg6[%dma_wait3A_693, %dma_wait3A_705, %dma_wait3A_706, %dma_wait3A_707] : memref<2x5x128x64xf32, #tpu.memory_space<vmem>> -> memref<1x5x128x64xf32, #tpu.memory_space<vmem>>
      %dma_wait3A_709 = tpu.memref_squeeze %dma_wait3A_708 : memref<1x5x128x64xf32, #tpu.memory_space<vmem>> -> memref<5x128x64xf32, #tpu.memory_space<vmem>>
      tpu.wait_dma2 semaphore(%arg10 : memref<!tpu.dma_semaphore, #tpu.memory_space<semaphore_mem>>) src(%dma_wait3A_709 : memref<5x128x64xf32, #tpu.memory_space<vmem>>) dst(%dma_wait3A_704 : memref<5x128x64xf32, #tpu.memory_space<hbm>>)
      %add3A_710 = arith.constant 2 : i32
      %add3A_711 = arith.addi %add3A_631, %add3A_710 : i32
      %mul3A_712 = arith.constant 5 : i32
      %mul3A_713 = arith.muli %add3A_711, %mul3A_712 : i32
      %add3A_714 = arith.addi %mul3A_2, %mul3A_713 : i32
      %dma_wait3A_715 = arith.constant 1 : i32
      %dma_wait3A_716 = arith.constant 0 : i32
      %dma_wait3A_717 = arith.constant 0 : i32
      %dma_wait3A_718 = tpu.memref_slice %arg5[%dma_wait3A_715, %dma_wait3A_716, %dma_wait3A_717] : memref<2x5x128xi32, #tpu.memory_space<vmem>> -> memref<1x5x128xi32, #tpu.memory_space<vmem>>
      %dma_wait3A_719 = tpu.memref_squeeze %dma_wait3A_718 : memref<1x5x128xi32, #tpu.memory_space<vmem>> -> memref<5x128xi32, #tpu.memory_space<vmem>>
      %dma_wait3A_720 = arith.constant 0 : i32
      %dma_wait3A_721 = tpu.memref_slice %arg2[%add3A_714, %dma_wait3A_720] : memref<25600x128xi32, #tpu.memory_space<hbm>> -> memref<5x128xi32, #tpu.memory_space<hbm>>
      %dma_wait3A_722 = arith.constant 0 : i32
      %dma_wait3A_723 = arith.constant 0 : i32
      %dma_wait3A_724 = tpu.memref_slice %arg5[%dma_wait3A_715, %dma_wait3A_722, %dma_wait3A_723] : memref<2x5x128xi32, #tpu.memory_space<vmem>> -> memref<1x5x128xi32, #tpu.memory_space<vmem>>
      %dma_wait3A_725 = tpu.memref_squeeze %dma_wait3A_724 : memref<1x5x128xi32, #tpu.memory_space<vmem>> -> memref<5x128xi32, #tpu.memory_space<vmem>>
      %dma_wait3A_726 = arith.constant 0 : i32
      %dma_wait3A_727 = tpu.memref_slice %arg2[%add3A_714, %dma_wait3A_726] : memref<25600x128xi32, #tpu.memory_space<hbm>> -> memref<5x128xi32, #tpu.memory_space<hbm>>
      tpu.wait_dma2 semaphore(%arg12 : memref<!tpu.dma_semaphore, #tpu.memory_space<semaphore_mem>>) src(%dma_wait3A_727 : memref<5x128xi32, #tpu.memory_space<hbm>>) dst(%dma_wait3A_725 : memref<5x128xi32, #tpu.memory_space<vmem>>)
      %dma_start3A_728 = arith.constant 1 : i32
      %dma_start3A_729 = arith.constant 0 : i32
      %dma_start3A_730 = arith.constant 1 : i32
      %dma_start3A_731 = arith.constant 0 : i32
      %dma_start3A_732 = arith.constant 0 : i32
      %dma_start3A_733 = arith.constant 0 : i32
      %dma_start3A_734 = arith.constant 0 : i32
      %dma_start3A_735 = tpu.memref_slice %arg6[%dma_start3A_730, %dma_start3A_732, %dma_start3A_733, %dma_start3A_734] : memref<2x5x128x64xf32, #tpu.memory_space<vmem>> -> memref<1x5x128x64xf32, #tpu.memory_space<vmem>>
      %dma_start3A_736 = tpu.memref_squeeze %dma_start3A_735 : memref<1x5x128x64xf32, #tpu.memory_space<vmem>> -> memref<5x128x64xf32, #tpu.memory_space<vmem>>
      %dma_start3A_737 = arith.constant 0 : i32
      %dma_start3A_738 = arith.constant 0 : i32
      %dma_start3A_739 = tpu.memref_slice %dma_start3A_736[%dma_start3A_731, %dma_start3A_737, %dma_start3A_738] : memref<5x128x64xf32, #tpu.memory_space<vmem>> -> memref<1x128x64xf32, #tpu.memory_space<vmem>>
      %dma_start3A_740 = tpu.memref_squeeze %dma_start3A_739 : memref<1x128x64xf32, #tpu.memory_space<vmem>> -> memref<128x64xf32, #tpu.memory_space<vmem>>
      %dma_start3A_741 = arith.constant 0 : i32
      %dma_start3A_742 = arith.constant 0 : i32
      %dma_start3A_743 = tpu.memref_slice %arg5[%dma_start3A_728, %dma_start3A_741, %dma_start3A_742] : memref<2x5x128xi32, #tpu.memory_space<vmem>> -> memref<1x5x128xi32, #tpu.memory_space<vmem>>
      %dma_start3A_744 = tpu.memref_squeeze %dma_start3A_743 : memref<1x5x128xi32, #tpu.memory_space<vmem>> -> memref<5x128xi32, #tpu.memory_space<vmem>>
      %dma_start3A_745 = arith.constant 0 : i32
      %dma_start3A_746 = tpu.memref_slice %dma_start3A_744[%dma_start3A_729, %dma_start3A_745] : memref<5x128xi32, #tpu.memory_space<vmem>> -> memref<1x128xi32, #tpu.memory_space<vmem>>
      %dma_start3A_747 = tpu.memref_squeeze %dma_start3A_746 : memref<1x128xi32, #tpu.memory_space<vmem>> -> memref<128xi32, #tpu.memory_space<vmem>>
      %dma_start3A_748 = arith.constant 0 : i32
      %dma_start3A_749 = arith.constant 0 : i32
      %dma_start3A_750 = tpu.memref_slice %arg13[%dma_start3A_748, %dma_start3A_749] : memref<2048x64xf32, #tpu.memory_space<vmem_shared>> -> memref<2048x64xf32, #tpu.memory_space<vmem_shared>>
      tpu.enqueue_indirect_dma source(%dma_start3A_750 : memref<2048x64xf32, #tpu.memory_space<vmem_shared>>) target(%dma_start3A_740 : memref<128x64xf32, #tpu.memory_space<vmem>>) offsets(%dma_start3A_747 : memref<128xi32, #tpu.memory_space<vmem>>) semaphore(%arg8 : memref<!tpu.dma_semaphore, #tpu.memory_space<semaphore_mem>>)
      %dma_start3A_751 = arith.constant 1 : i32
      %dma_start3A_752 = arith.constant 1 : i32
      %dma_start3A_753 = arith.constant 1 : i32
      %dma_start3A_754 = arith.constant 1 : i32
      %dma_start3A_755 = arith.constant 0 : i32
      %dma_start3A_756 = arith.constant 0 : i32
      %dma_start3A_757 = arith.constant 0 : i32
      %dma_start3A_758 = tpu.memref_slice %arg6[%dma_start3A_753, %dma_start3A_755, %dma_start3A_756, %dma_start3A_757] : memref<2x5x128x64xf32, #tpu.memory_space<vmem>> -> memref<1x5x128x64xf32, #tpu.memory_space<vmem>>
      %dma_start3A_759 = tpu.memref_squeeze %dma_start3A_758 : memref<1x5x128x64xf32, #tpu.memory_space<vmem>> -> memref<5x128x64xf32, #tpu.memory_space<vmem>>
      %dma_start3A_760 = arith.constant 0 : i32
      %dma_start3A_761 = arith.constant 0 : i32
      %dma_start3A_762 = tpu.memref_slice %dma_start3A_759[%dma_start3A_754, %dma_start3A_760, %dma_start3A_761] : memref<5x128x64xf32, #tpu.memory_space<vmem>> -> memref<1x128x64xf32, #tpu.memory_space<vmem>>
      %dma_start3A_763 = tpu.memref_squeeze %dma_start3A_762 : memref<1x128x64xf32, #tpu.memory_space<vmem>> -> memref<128x64xf32, #tpu.memory_space<vmem>>
      %dma_start3A_764 = arith.constant 0 : i32
      %dma_start3A_765 = arith.constant 0 : i32
      %dma_start3A_766 = tpu.memref_slice %arg5[%dma_start3A_751, %dma_start3A_764, %dma_start3A_765] : memref<2x5x128xi32, #tpu.memory_space<vmem>> -> memref<1x5x128xi32, #tpu.memory_space<vmem>>
      %dma_start3A_767 = tpu.memref_squeeze %dma_start3A_766 : memref<1x5x128xi32, #tpu.memory_space<vmem>> -> memref<5x128xi32, #tpu.memory_space<vmem>>
      %dma_start3A_768 = arith.constant 0 : i32
      %dma_start3A_769 = tpu.memref_slice %dma_start3A_767[%dma_start3A_752, %dma_start3A_768] : memref<5x128xi32, #tpu.memory_space<vmem>> -> memref<1x128xi32, #tpu.memory_space<vmem>>
      %dma_start3A_770 = tpu.memref_squeeze %dma_start3A_769 : memref<1x128xi32, #tpu.memory_space<vmem>> -> memref<128xi32, #tpu.memory_space<vmem>>
      %dma_start3A_771 = arith.constant 0 : i32
      %dma_start3A_772 = arith.constant 0 : i32
      %dma_start3A_773 = tpu.memref_slice %arg13[%dma_start3A_771, %dma_start3A_772] : memref<2048x64xf32, #tpu.memory_space<vmem_shared>> -> memref<2048x64xf32, #tpu.memory_space<vmem_shared>>
      tpu.enqueue_indirect_dma source(%dma_start3A_773 : memref<2048x64xf32, #tpu.memory_space<vmem_shared>>) target(%dma_start3A_763 : memref<128x64xf32, #tpu.memory_space<vmem>>) offsets(%dma_start3A_770 : memref<128xi32, #tpu.memory_space<vmem>>) semaphore(%arg8 : memref<!tpu.dma_semaphore, #tpu.memory_space<semaphore_mem>>)
      %dma_start3A_774 = arith.constant 1 : i32
      %dma_start3A_775 = arith.constant 2 : i32
      %dma_start3A_776 = arith.constant 1 : i32
      %dma_start3A_777 = arith.constant 2 : i32
      %dma_start3A_778 = arith.constant 0 : i32
      %dma_start3A_779 = arith.constant 0 : i32
      %dma_start3A_780 = arith.constant 0 : i32
      %dma_start3A_781 = tpu.memref_slice %arg6[%dma_start3A_776, %dma_start3A_778, %dma_start3A_779, %dma_start3A_780] : memref<2x5x128x64xf32, #tpu.memory_space<vmem>> -> memref<1x5x128x64xf32, #tpu.memory_space<vmem>>
      %dma_start3A_782 = tpu.memref_squeeze %dma_start3A_781 : memref<1x5x128x64xf32, #tpu.memory_space<vmem>> -> memref<5x128x64xf32, #tpu.memory_space<vmem>>
      %dma_start3A_783 = arith.constant 0 : i32
      %dma_start3A_784 = arith.constant 0 : i32
      %dma_start3A_785 = tpu.memref_slice %dma_start3A_782[%dma_start3A_777, %dma_start3A_783, %dma_start3A_784] : memref<5x128x64xf32, #tpu.memory_space<vmem>> -> memref<1x128x64xf32, #tpu.memory_space<vmem>>
      %dma_start3A_786 = tpu.memref_squeeze %dma_start3A_785 : memref<1x128x64xf32, #tpu.memory_space<vmem>> -> memref<128x64xf32, #tpu.memory_space<vmem>>
      %dma_start3A_787 = arith.constant 0 : i32
      %dma_start3A_788 = arith.constant 0 : i32
      %dma_start3A_789 = tpu.memref_slice %arg5[%dma_start3A_774, %dma_start3A_787, %dma_start3A_788] : memref<2x5x128xi32, #tpu.memory_space<vmem>> -> memref<1x5x128xi32, #tpu.memory_space<vmem>>
      %dma_start3A_790 = tpu.memref_squeeze %dma_start3A_789 : memref<1x5x128xi32, #tpu.memory_space<vmem>> -> memref<5x128xi32, #tpu.memory_space<vmem>>
      %dma_start3A_791 = arith.constant 0 : i32
      %dma_start3A_792 = tpu.memref_slice %dma_start3A_790[%dma_start3A_775, %dma_start3A_791] : memref<5x128xi32, #tpu.memory_space<vmem>> -> memref<1x128xi32, #tpu.memory_space<vmem>>
      %dma_start3A_793 = tpu.memref_squeeze %dma_start3A_792 : memref<1x128xi32, #tpu.memory_space<vmem>> -> memref<128xi32, #tpu.memory_space<vmem>>
      %dma_start3A_794 = arith.constant 0 : i32
      %dma_start3A_795 = arith.constant 0 : i32
      %dma_start3A_796 = tpu.memref_slice %arg13[%dma_start3A_794, %dma_start3A_795] : memref<2048x64xf32, #tpu.memory_space<vmem_shared>> -> memref<2048x64xf32, #tpu.memory_space<vmem_shared>>
      tpu.enqueue_indirect_dma source(%dma_start3A_796 : memref<2048x64xf32, #tpu.memory_space<vmem_shared>>) target(%dma_start3A_786 : memref<128x64xf32, #tpu.memory_space<vmem>>) offsets(%dma_start3A_793 : memref<128xi32, #tpu.memory_space<vmem>>) semaphore(%arg8 : memref<!tpu.dma_semaphore, #tpu.memory_space<semaphore_mem>>)
      %dma_start3A_797 = arith.constant 1 : i32
      %dma_start3A_798 = arith.constant 3 : i32
      %dma_start3A_799 = arith.constant 1 : i32
      %dma_start3A_800 = arith.constant 3 : i32
      %dma_start3A_801 = arith.constant 0 : i32
      %dma_start3A_802 = arith.constant 0 : i32
      %dma_start3A_803 = arith.constant 0 : i32
      %dma_start3A_804 = tpu.memref_slice %arg6[%dma_start3A_799, %dma_start3A_801, %dma_start3A_802, %dma_start3A_803] : memref<2x5x128x64xf32, #tpu.memory_space<vmem>> -> memref<1x5x128x64xf32, #tpu.memory_space<vmem>>
      %dma_start3A_805 = tpu.memref_squeeze %dma_start3A_804 : memref<1x5x128x64xf32, #tpu.memory_space<vmem>> -> memref<5x128x64xf32, #tpu.memory_space<vmem>>
      %dma_start3A_806 = arith.constant 0 : i32
      %dma_start3A_807 = arith.constant 0 : i32
      %dma_start3A_808 = tpu.memref_slice %dma_start3A_805[%dma_start3A_800, %dma_start3A_806, %dma_start3A_807] : memref<5x128x64xf32, #tpu.memory_space<vmem>> -> memref<1x128x64xf32, #tpu.memory_space<vmem>>
      %dma_start3A_809 = tpu.memref_squeeze %dma_start3A_808 : memref<1x128x64xf32, #tpu.memory_space<vmem>> -> memref<128x64xf32, #tpu.memory_space<vmem>>
      %dma_start3A_810 = arith.constant 0 : i32
      %dma_start3A_811 = arith.constant 0 : i32
      %dma_start3A_812 = tpu.memref_slice %arg5[%dma_start3A_797, %dma_start3A_810, %dma_start3A_811] : memref<2x5x128xi32, #tpu.memory_space<vmem>> -> memref<1x5x128xi32, #tpu.memory_space<vmem>>
      %dma_start3A_813 = tpu.memref_squeeze %dma_start3A_812 : memref<1x5x128xi32, #tpu.memory_space<vmem>> -> memref<5x128xi32, #tpu.memory_space<vmem>>
      %dma_start3A_814 = arith.constant 0 : i32
      %dma_start3A_815 = tpu.memref_slice %dma_start3A_813[%dma_start3A_798, %dma_start3A_814] : memref<5x128xi32, #tpu.memory_space<vmem>> -> memref<1x128xi32, #tpu.memory_space<vmem>>
      %dma_start3A_816 = tpu.memref_squeeze %dma_start3A_815 : memref<1x128xi32, #tpu.memory_space<vmem>> -> memref<128xi32, #tpu.memory_space<vmem>>
      %dma_start3A_817 = arith.constant 0 : i32
      %dma_start3A_818 = arith.constant 0 : i32
      %dma_start3A_819 = tpu.memref_slice %arg13[%dma_start3A_817, %dma_start3A_818] : memref<2048x64xf32, #tpu.memory_space<vmem_shared>> -> memref<2048x64xf32, #tpu.memory_space<vmem_shared>>
      tpu.enqueue_indirect_dma source(%dma_start3A_819 : memref<2048x64xf32, #tpu.memory_space<vmem_shared>>) target(%dma_start3A_809 : memref<128x64xf32, #tpu.memory_space<vmem>>) offsets(%dma_start3A_816 : memref<128xi32, #tpu.memory_space<vmem>>) semaphore(%arg8 : memref<!tpu.dma_semaphore, #tpu.memory_space<semaphore_mem>>)
      %dma_start3A_820 = arith.constant 1 : i32
      %dma_start3A_821 = arith.constant 4 : i32
      %dma_start3A_822 = arith.constant 1 : i32
      %dma_start3A_823 = arith.constant 4 : i32
      %dma_start3A_824 = arith.constant 0 : i32
      %dma_start3A_825 = arith.constant 0 : i32
      %dma_start3A_826 = arith.constant 0 : i32
      %dma_start3A_827 = tpu.memref_slice %arg6[%dma_start3A_822, %dma_start3A_824, %dma_start3A_825, %dma_start3A_826] : memref<2x5x128x64xf32, #tpu.memory_space<vmem>> -> memref<1x5x128x64xf32, #tpu.memory_space<vmem>>
      %dma_start3A_828 = tpu.memref_squeeze %dma_start3A_827 : memref<1x5x128x64xf32, #tpu.memory_space<vmem>> -> memref<5x128x64xf32, #tpu.memory_space<vmem>>
      %dma_start3A_829 = arith.constant 0 : i32
      %dma_start3A_830 = arith.constant 0 : i32
      %dma_start3A_831 = tpu.memref_slice %dma_start3A_828[%dma_start3A_823, %dma_start3A_829, %dma_start3A_830] : memref<5x128x64xf32, #tpu.memory_space<vmem>> -> memref<1x128x64xf32, #tpu.memory_space<vmem>>
      %dma_start3A_832 = tpu.memref_squeeze %dma_start3A_831 : memref<1x128x64xf32, #tpu.memory_space<vmem>> -> memref<128x64xf32, #tpu.memory_space<vmem>>
      %dma_start3A_833 = arith.constant 0 : i32
      %dma_start3A_834 = arith.constant 0 : i32
      %dma_start3A_835 = tpu.memref_slice %arg5[%dma_start3A_820, %dma_start3A_833, %dma_start3A_834] : memref<2x5x128xi32, #tpu.memory_space<vmem>> -> memref<1x5x128xi32, #tpu.memory_space<vmem>>
      %dma_start3A_836 = tpu.memref_squeeze %dma_start3A_835 : memref<1x5x128xi32, #tpu.memory_space<vmem>> -> memref<5x128xi32, #tpu.memory_space<vmem>>
      %dma_start3A_837 = arith.constant 0 : i32
      %dma_start3A_838 = tpu.memref_slice %dma_start3A_836[%dma_start3A_821, %dma_start3A_837] : memref<5x128xi32, #tpu.memory_space<vmem>> -> memref<1x128xi32, #tpu.memory_space<vmem>>
      %dma_start3A_839 = tpu.memref_squeeze %dma_start3A_838 : memref<1x128xi32, #tpu.memory_space<vmem>> -> memref<128xi32, #tpu.memory_space<vmem>>
      %dma_start3A_840 = arith.constant 0 : i32
      %dma_start3A_841 = arith.constant 0 : i32
      %dma_start3A_842 = tpu.memref_slice %arg13[%dma_start3A_840, %dma_start3A_841] : memref<2048x64xf32, #tpu.memory_space<vmem_shared>> -> memref<2048x64xf32, #tpu.memory_space<vmem_shared>>
      tpu.enqueue_indirect_dma source(%dma_start3A_842 : memref<2048x64xf32, #tpu.memory_space<vmem_shared>>) target(%dma_start3A_832 : memref<128x64xf32, #tpu.memory_space<vmem>>) offsets(%dma_start3A_839 : memref<128xi32, #tpu.memory_space<vmem>>) semaphore(%arg8 : memref<!tpu.dma_semaphore, #tpu.memory_space<semaphore_mem>>)
    }
    %scan3A_297 = arith.constant 79 : i32
    %add3A_298 = arith.constant 790 : i32
    %add3A_299 = arith.addi %mul3A_2, %add3A_298 : i32
    %dma_wait3A_300 = arith.constant 0 : i32
    %dma_wait3A_301 = arith.constant 0 : i32
    %dma_wait3A_302 = arith.constant 0 : i32
    %dma_wait3A_303 = arith.constant 0 : i32
    %dma_wait3A_304 = tpu.memref_slice %arg6[%dma_wait3A_300, %dma_wait3A_301, %dma_wait3A_302, %dma_wait3A_303] : memref<2x5x128x64xf32, #tpu.memory_space<vmem>> -> memref<1x5x128x64xf32, #tpu.memory_space<vmem>>
    %dma_wait3A_305 = tpu.memref_squeeze %dma_wait3A_304 : memref<1x5x128x64xf32, #tpu.memory_space<vmem>> -> memref<5x128x64xf32, #tpu.memory_space<vmem>>
    %dma_wait3A_306 = arith.constant 0 : i32
    %dma_wait3A_307 = arith.constant 0 : i32
    %dma_wait3A_308 = tpu.memref_slice %arg4[%add3A_299, %dma_wait3A_306, %dma_wait3A_307] : memref<25600x128x64xf32, #tpu.memory_space<hbm>> -> memref<5x128x64xf32, #tpu.memory_space<hbm>>
    %dma_wait3A_309 = arith.constant 0 : i32
    %dma_wait3A_310 = arith.constant 0 : i32
    %dma_wait3A_311 = arith.constant 0 : i32
    %dma_wait3A_312 = tpu.memref_slice %arg6[%dma_wait3A_300, %dma_wait3A_309, %dma_wait3A_310, %dma_wait3A_311] : memref<2x5x128x64xf32, #tpu.memory_space<vmem>> -> memref<1x5x128x64xf32, #tpu.memory_space<vmem>>
    %dma_wait3A_313 = tpu.memref_squeeze %dma_wait3A_312 : memref<1x5x128x64xf32, #tpu.memory_space<vmem>> -> memref<5x128x64xf32, #tpu.memory_space<vmem>>
    %dma_wait3A_314 = arith.constant 0 : i32
    %dma_wait3A_315 = arith.constant 0 : i32
    %dma_wait3A_316 = tpu.memref_slice %arg4[%add3A_299, %dma_wait3A_314, %dma_wait3A_315] : memref<25600x128x64xf32, #tpu.memory_space<hbm>> -> memref<5x128x64xf32, #tpu.memory_space<hbm>>
    tpu.wait_dma2 semaphore(%arg7 : memref<!tpu.dma_semaphore, #tpu.memory_space<semaphore_mem>>) src(%dma_wait3A_316 : memref<5x128x64xf32, #tpu.memory_space<hbm>>) dst(%dma_wait3A_313 : memref<5x128x64xf32, #tpu.memory_space<vmem>>)
    %add3A_317 = arith.constant 790 : i32
    %add3A_318 = arith.addi %mul3A_2, %add3A_317 : i32
    %dma_start3A_319 = arith.constant 0 : i32
    %dma_start3A_320 = arith.constant 0 : i32
    %dma_start3A_321 = arith.constant 0 : i32
    %dma_start3A_322 = arith.constant 0 : i32
    %dma_start3A_323 = tpu.memref_slice %arg6[%dma_start3A_319, %dma_start3A_320, %dma_start3A_321, %dma_start3A_322] : memref<2x5x128x64xf32, #tpu.memory_space<vmem>> -> memref<1x5x128x64xf32, #tpu.memory_space<vmem>>
    %dma_start3A_324 = tpu.memref_squeeze %dma_start3A_323 : memref<1x5x128x64xf32, #tpu.memory_space<vmem>> -> memref<5x128x64xf32, #tpu.memory_space<vmem>>
    %dma_start3A_325 = arith.constant 0 : i32
    %dma_start3A_326 = arith.constant 0 : i32
    %dma_start3A_327 = tpu.memref_slice %arg4[%add3A_318, %dma_start3A_325, %dma_start3A_326] : memref<25600x128x64xf32, #tpu.memory_space<hbm>> -> memref<5x128x64xf32, #tpu.memory_space<hbm>>
    %dma_start3A_328 = arith.constant 0 : i32
    %dma_start3A_329 = arith.constant 0 : i32
    %dma_start3A_330 = tpu.memref_slice %arg4[%add3A_318, %dma_start3A_328, %dma_start3A_329] : memref<25600x128x64xf32, #tpu.memory_space<hbm>> -> memref<5x128x64xf32, #tpu.memory_space<hbm>>
    %dma_start3A_331 = arith.constant 0 : i32
    %dma_start3A_332 = arith.constant 0 : i32
    %dma_start3A_333 = arith.constant 0 : i32
    %dma_start3A_334 = tpu.memref_slice %arg6[%dma_start3A_319, %dma_start3A_331, %dma_start3A_332, %dma_start3A_333] : memref<2x5x128x64xf32, #tpu.memory_space<vmem>> -> memref<1x5x128x64xf32, #tpu.memory_space<vmem>>
    %dma_start3A_335 = tpu.memref_squeeze %dma_start3A_334 : memref<1x5x128x64xf32, #tpu.memory_space<vmem>> -> memref<5x128x64xf32, #tpu.memory_space<vmem>>
    tpu.enqueue_dma source(%dma_start3A_335 : memref<5x128x64xf32, #tpu.memory_space<vmem>>) target(%dma_start3A_330 : memref<5x128x64xf32, #tpu.memory_space<hbm>>) target_semaphore(%arg9 : memref<!tpu.dma_semaphore, #tpu.memory_space<semaphore_mem>>)
    %add3A_336 = arith.constant 795 : i32
    %add3A_337 = arith.addi %mul3A_2, %add3A_336 : i32
    %dma_wait3A_338 = arith.constant 1 : i32
    %dma_wait3A_339 = arith.constant 0 : i32
    %dma_wait3A_340 = arith.constant 0 : i32
    %dma_wait3A_341 = arith.constant 0 : i32
    %dma_wait3A_342 = tpu.memref_slice %arg6[%dma_wait3A_338, %dma_wait3A_339, %dma_wait3A_340, %dma_wait3A_341] : memref<2x5x128x64xf32, #tpu.memory_space<vmem>> -> memref<1x5x128x64xf32, #tpu.memory_space<vmem>>
    %dma_wait3A_343 = tpu.memref_squeeze %dma_wait3A_342 : memref<1x5x128x64xf32, #tpu.memory_space<vmem>> -> memref<5x128x64xf32, #tpu.memory_space<vmem>>
    %dma_wait3A_344 = arith.constant 0 : i32
    %dma_wait3A_345 = arith.constant 0 : i32
    %dma_wait3A_346 = tpu.memref_slice %arg4[%add3A_337, %dma_wait3A_344, %dma_wait3A_345] : memref<25600x128x64xf32, #tpu.memory_space<hbm>> -> memref<5x128x64xf32, #tpu.memory_space<hbm>>
    %dma_wait3A_347 = arith.constant 0 : i32
    %dma_wait3A_348 = arith.constant 0 : i32
    %dma_wait3A_349 = arith.constant 0 : i32
    %dma_wait3A_350 = tpu.memref_slice %arg6[%dma_wait3A_338, %dma_wait3A_347, %dma_wait3A_348, %dma_wait3A_349] : memref<2x5x128x64xf32, #tpu.memory_space<vmem>> -> memref<1x5x128x64xf32, #tpu.memory_space<vmem>>
    %dma_wait3A_351 = tpu.memref_squeeze %dma_wait3A_350 : memref<1x5x128x64xf32, #tpu.memory_space<vmem>> -> memref<5x128x64xf32, #tpu.memory_space<vmem>>
    %dma_wait3A_352 = arith.constant 0 : i32
    %dma_wait3A_353 = arith.constant 0 : i32
    %dma_wait3A_354 = tpu.memref_slice %arg4[%add3A_337, %dma_wait3A_352, %dma_wait3A_353] : memref<25600x128x64xf32, #tpu.memory_space<hbm>> -> memref<5x128x64xf32, #tpu.memory_space<hbm>>
    tpu.wait_dma2 semaphore(%arg8 : memref<!tpu.dma_semaphore, #tpu.memory_space<semaphore_mem>>) src(%dma_wait3A_354 : memref<5x128x64xf32, #tpu.memory_space<hbm>>) dst(%dma_wait3A_351 : memref<5x128x64xf32, #tpu.memory_space<vmem>>)
    %add3A_355 = arith.constant 795 : i32
    %add3A_356 = arith.addi %mul3A_2, %add3A_355 : i32
    %dma_start3A_357 = arith.constant 1 : i32
    %dma_start3A_358 = arith.constant 0 : i32
    %dma_start3A_359 = arith.constant 0 : i32
    %dma_start3A_360 = arith.constant 0 : i32
    %dma_start3A_361 = tpu.memref_slice %arg6[%dma_start3A_357, %dma_start3A_358, %dma_start3A_359, %dma_start3A_360] : memref<2x5x128x64xf32, #tpu.memory_space<vmem>> -> memref<1x5x128x64xf32, #tpu.memory_space<vmem>>
    %dma_start3A_362 = tpu.memref_squeeze %dma_start3A_361 : memref<1x5x128x64xf32, #tpu.memory_space<vmem>> -> memref<5x128x64xf32, #tpu.memory_space<vmem>>
    %dma_start3A_363 = arith.constant 0 : i32
    %dma_start3A_364 = arith.constant 0 : i32
    %dma_start3A_365 = tpu.memref_slice %arg4[%add3A_356, %dma_start3A_363, %dma_start3A_364] : memref<25600x128x64xf32, #tpu.memory_space<hbm>> -> memref<5x128x64xf32, #tpu.memory_space<hbm>>
    %dma_start3A_366 = arith.constant 0 : i32
    %dma_start3A_367 = arith.constant 0 : i32
    %dma_start3A_368 = tpu.memref_slice %arg4[%add3A_356, %dma_start3A_366, %dma_start3A_367] : memref<25600x128x64xf32, #tpu.memory_space<hbm>> -> memref<5x128x64xf32, #tpu.memory_space<hbm>>
    %dma_start3A_369 = arith.constant 0 : i32
    %dma_start3A_370 = arith.constant 0 : i32
    %dma_start3A_371 = arith.constant 0 : i32
    %dma_start3A_372 = tpu.memref_slice %arg6[%dma_start3A_357, %dma_start3A_369, %dma_start3A_370, %dma_start3A_371] : memref<2x5x128x64xf32, #tpu.memory_space<vmem>> -> memref<1x5x128x64xf32, #tpu.memory_space<vmem>>
    %dma_start3A_373 = tpu.memref_squeeze %dma_start3A_372 : memref<1x5x128x64xf32, #tpu.memory_space<vmem>> -> memref<5x128x64xf32, #tpu.memory_space<vmem>>
    tpu.enqueue_dma source(%dma_start3A_373 : memref<5x128x64xf32, #tpu.memory_space<vmem>>) target(%dma_start3A_368 : memref<5x128x64xf32, #tpu.memory_space<hbm>>) target_semaphore(%arg10 : memref<!tpu.dma_semaphore, #tpu.memory_space<semaphore_mem>>)
    %add3A_374 = arith.constant 790 : i32
    %add3A_375 = arith.addi %mul3A_2, %add3A_374 : i32
    %dma_wait3A_376 = arith.constant 0 : i32
    %dma_wait3A_377 = arith.constant 0 : i32
    %dma_wait3A_378 = arith.constant 0 : i32
    %dma_wait3A_379 = arith.constant 0 : i32
    %dma_wait3A_380 = tpu.memref_slice %arg6[%dma_wait3A_376, %dma_wait3A_377, %dma_wait3A_378, %dma_wait3A_379] : memref<2x5x128x64xf32, #tpu.memory_space<vmem>> -> memref<1x5x128x64xf32, #tpu.memory_space<vmem>>
    %dma_wait3A_381 = tpu.memref_squeeze %dma_wait3A_380 : memref<1x5x128x64xf32, #tpu.memory_space<vmem>> -> memref<5x128x64xf32, #tpu.memory_space<vmem>>
    %dma_wait3A_382 = arith.constant 0 : i32
    %dma_wait3A_383 = arith.constant 0 : i32
    %dma_wait3A_384 = tpu.memref_slice %arg4[%add3A_375, %dma_wait3A_382, %dma_wait3A_383] : memref<25600x128x64xf32, #tpu.memory_space<hbm>> -> memref<5x128x64xf32, #tpu.memory_space<hbm>>
    %dma_wait3A_385 = arith.constant 0 : i32
    %dma_wait3A_386 = arith.constant 0 : i32
    %dma_wait3A_387 = tpu.memref_slice %arg4[%add3A_375, %dma_wait3A_385, %dma_wait3A_386] : memref<25600x128x64xf32, #tpu.memory_space<hbm>> -> memref<5x128x64xf32, #tpu.memory_space<hbm>>
    %dma_wait3A_388 = arith.constant 0 : i32
    %dma_wait3A_389 = arith.constant 0 : i32
    %dma_wait3A_390 = arith.constant 0 : i32
    %dma_wait3A_391 = tpu.memref_slice %arg6[%dma_wait3A_376, %dma_wait3A_388, %dma_wait3A_389, %dma_wait3A_390] : memref<2x5x128x64xf32, #tpu.memory_space<vmem>> -> memref<1x5x128x64xf32, #tpu.memory_space<vmem>>
    %dma_wait3A_392 = tpu.memref_squeeze %dma_wait3A_391 : memref<1x5x128x64xf32, #tpu.memory_space<vmem>> -> memref<5x128x64xf32, #tpu.memory_space<vmem>>
    tpu.wait_dma2 semaphore(%arg9 : memref<!tpu.dma_semaphore, #tpu.memory_space<semaphore_mem>>) src(%dma_wait3A_392 : memref<5x128x64xf32, #tpu.memory_space<vmem>>) dst(%dma_wait3A_387 : memref<5x128x64xf32, #tpu.memory_space<hbm>>)
    %add3A_393 = arith.constant 795 : i32
    %add3A_394 = arith.addi %mul3A_2, %add3A_393 : i32
    %dma_wait3A_395 = arith.constant 1 : i32
    %dma_wait3A_396 = arith.constant 0 : i32
    %dma_wait3A_397 = arith.constant 0 : i32
    %dma_wait3A_398 = arith.constant 0 : i32
    %dma_wait3A_399 = tpu.memref_slice %arg6[%dma_wait3A_395, %dma_wait3A_396, %dma_wait3A_397, %dma_wait3A_398] : memref<2x5x128x64xf32, #tpu.memory_space<vmem>> -> memref<1x5x128x64xf32, #tpu.memory_space<vmem>>
    %dma_wait3A_400 = tpu.memref_squeeze %dma_wait3A_399 : memref<1x5x128x64xf32, #tpu.memory_space<vmem>> -> memref<5x128x64xf32, #tpu.memory_space<vmem>>
    %dma_wait3A_401 = arith.constant 0 : i32
    %dma_wait3A_402 = arith.constant 0 : i32
    %dma_wait3A_403 = tpu.memref_slice %arg4[%add3A_394, %dma_wait3A_401, %dma_wait3A_402] : memref<25600x128x64xf32, #tpu.memory_space<hbm>> -> memref<5x128x64xf32, #tpu.memory_space<hbm>>
    %dma_wait3A_404 = arith.constant 0 : i32
    %dma_wait3A_405 = arith.constant 0 : i32
    %dma_wait3A_406 = tpu.memref_slice %arg4[%add3A_394, %dma_wait3A_404, %dma_wait3A_405] : memref<25600x128x64xf32, #tpu.memory_space<hbm>> -> memref<5x128x64xf32, #tpu.memory_space<hbm>>
    %dma_wait3A_407 = arith.constant 0 : i32
    %dma_wait3A_408 = arith.constant 0 : i32
    %dma_wait3A_409 = arith.constant 0 : i32
    %dma_wait3A_410 = tpu.memref_slice %arg6[%dma_wait3A_395, %dma_wait3A_407, %dma_wait3A_408, %dma_wait3A_409] : memref<2x5x128x64xf32, #tpu.memory_space<vmem>> -> memref<1x5x128x64xf32, #tpu.memory_space<vmem>>
    %dma_wait3A_411 = tpu.memref_squeeze %dma_wait3A_410 : memref<1x5x128x64xf32, #tpu.memory_space<vmem>> -> memref<5x128x64xf32, #tpu.memory_space<vmem>>
    tpu.wait_dma2 semaphore(%arg10 : memref<!tpu.dma_semaphore, #tpu.memory_space<semaphore_mem>>) src(%dma_wait3A_411 : memref<5x128x64xf32, #tpu.memory_space<vmem>>) dst(%dma_wait3A_406 : memref<5x128x64xf32, #tpu.memory_space<hbm>>)
    return
  }
}

</mosaic_0001>

<sc_bundles>
// kernel: kernel.3.cloned.1.call-start
scs
__scs_entry_jumppad:
0x0: {  	(pc) =	sbr.rel $0x88, $3  }
0x1: {  	(tag) =	ssettag $0x0;
	lr =	simm.s32 $0x1  }
0x2: {  	[smem:$0x3F9F] =	sst lr;
	_ =	strace $0xD0000000  }
0x3: {  	_ = 	snop  }
0x4: {  	_ = 	snop  }
0x5: {  	_ = 	snop  }
0x6: {  	_ = 	snop  }
0x7: {  	_ = 	snop  }
__scs_overlays_trampoline_lowered:
0x8: {  	[smem:$0x3FAE] =	sst s0  }
0x9: {  	[smem:$0x3FAF] =	sst s1  }
0xa: {  	[smem:$0x3FB0] =	sst s2  }
0xb: {  	[smem:$0x3FB1] =	sst s3  }
0xc: {  	[smem:$0x3FB2] =	sst s4  }
0xd: {  	[smem:$0x3FB3] =	sst s5  }
0xe: {  	[smem:$0x3FB4] =	sst s6  }
0xf: {  	[smem:$0x3FB5] =	sst s7  }
0x10: {  	[smem:$0x3FB6] =	sst s8  }
0x11: {  	[smem:$0x3FB7] =	sst s9;
	s0 =	simm.s32 @!p0 $0x0  }
0x12: {  	s1 =	sld [smem:$0x3F9D];
	s0 =	simm.s32 @p0 $0x1  }
0x13: {  	[smem:$0x3FB8] =	sst s0;
	s0 =	simm.s32 @!p1 $0x0  }
0x14: {  	s2 =	sld [smem:$0x3F9C];
	s0 =	simm.s32 @p1 $0x1  }
0x15: {  	[smem:$0x3FB9] =	sst s0;
	s0 =	simm.s32 @!p2 $0x0  }
0x16: {  	s3 =	sld [smem:$0x3FDB];
	s0 =	simm.s32 @p2 $0x1  }
0x17: {  	s4 =	simm.s32 $0x1BF5;
	[smem:$0x3FBB] =	sst s0  }
0x18: {  	s0 =	sld [smem:$0x3F9E];
	_ =	swait.ge [sflag:s4], $0x0  }
0x19: {  	s7 =	sld [smem:$0x3F9F]  }
0x1a: {  	s8 =	sadd.s32 $0xFFFFE003, lr  }
0x1b: {  	s9 =	sadd.s32 $0xFFFFFEF7, lr;
	s5 =	simm.s32 $0xFFFFFFFF;
	p2 =	slt.u32 s8, $0xFFFFF086  }
0x1c: {  	p1 =	slt.u32 s9, $0xF7A;
	s5 =	simm.s32 @!p2 $0x0  }
0x1d: {  	s5 =	simm.s32 @p1 $0x1;
	p0 =	seq.s32 s7, s2  }
0x1e: {  	s7 =	smul.u32 @!p0 $0xF7A, s2;
	p2 =	seq.s32 @!p0 s5, $0x0  }
0x1f: {  	s9 =	smul.u32 $0xF7A, s1;
	s8 =	simm.s32 @!p0 $0x1BF5;
	p2 =	por !p2, p0  }
0x20: {  	[sflag:s8] =	ssyncset.s32 @!p0 $0xFFFFF086;
	s6 =	sadd.s32 @!p0 s3, s7;
	s7 =	simm.s32 @!p0 $0x108  }
0x21: {  	s3 =	sadd.s32 s3, s9;
	s6 =	sadd.s32 @!p0 $0x88, s6;
	s7 =	simm.s32 @p2 $0x1082  }
0x22: {  	[simem:s7], [sflag:s8] =	dma.local @!p0 [hbm:s6], $0xF7A  }
0x23: {  	s9 =	sor.u32 $0xD0000000, s2;
	s6 =	simm.s32 $0x108;
	_ =	swait.ge @!p0 [sflag:s8], $0x0  }
0x24: {  	s3 =	sadd.s32 $0x88, s3;
	s6 =	simm.s32 @!p1 $0x1082;
	[sflag:s4] =	ssyncset.s32 $0xFFFFF086  }
0x25: {  	[simem:s6], [sflag:s4] =	dma.local [hbm:s3], $0xF7A  }
0x26: {  	[smem:$0x3F9F] =	sst s1;
	(tag) =	ssettag s2;
	_ =	strace s9  }
0x27: {  	s1 =	sld [smem:$0x3FAF]  }
0x28: {  	s2 =	sld [smem:$0x3FB0]  }
0x29: {  	s4 =	sld [smem:$0x3FB2]  }
0x2a: {  	p0 =	seq.s32 s5, $0x0;
	s5 =	sld [smem:$0x3FB3]  }
0x2b: {  	s6 =	sld [smem:$0x3FB4]  }
0x2c: {  	s7 =	sld [smem:$0x3FB5]  }
0x2d: {  	s3 =	simm.s32 $0x108;
	s8 =	sld [smem:$0x3FB6]  }
0x2e: {  	s3 =	simm.s32 @!p0 $0x1082;
	s9 =	sld [smem:$0x3FB7]  }
0x2f: {  	lr =	sadd.s32 s0, s3;
	s0 =	sld [smem:$0x3FAE]  }
0x30: {  	s3 =	sld [smem:$0x3FB1]  }
0x31: {  	[smem:$0x3FBA] =	sst s10  }
0x32: {  	s10 =	sld [smem:$0x3FB8];
	_ =	sdelay $0x3  }
0x33: {  	p0 =	seq.s32 s10, $0x1;
	s10 =	sld [smem:$0x3FBA];
	_ =	sdelay $0x3  }
0x34: {  	[smem:$0x3FBA] =	sst s10  }
0x35: {  	s10 =	sld [smem:$0x3FB9];
	_ =	sdelay $0x3  }
0x36: {  	p1 =	seq.s32 s10, $0x1;
	s10 =	sld [smem:$0x3FBA];
	_ =	sdelay $0x3  }
0x37: {  	[smem:$0x3FBA] =	sst s10  }
0x38: {  	s10 =	sld [smem:$0x3FBB]  }
0x39: {  	_ = 	snop;
	(pc) =	sbr.ind lr, $3  }
0x3a: {  	_ = 	snop  }
0x3b: {  	_ = 	snop  }
0x3c: {  	p2 =	seq.s32 s10, $0x1;
	s10 =	sld [smem:$0x3FBA]  }
0x3d: {  	_ =	shalt  }
0x3e: {  	_ =	shalt  }
0x3f: {  	_ =	shalt  }
0x40: {  	_ =	shalt  }
0x41: {  	_ =	shalt  }
0x42: {  	_ =	shalt  }
0x43: {  	_ =	shalt  }
0x44: {  	_ =	shalt  }
0x45: {  	_ =	shalt  }
0x46: {  	_ =	shalt  }
0x47: {  	_ =	shalt  }
0x48: {  	_ =	shalt  }
0x49: {  	_ =	shalt  }
0x4a: {  	_ =	shalt  }
0x4b: {  	_ =	shalt  }
0x4c: {  	_ =	shalt  }
0x4d: {  	_ =	shalt  }
0x4e: {  	_ =	shalt  }
0x4f: {  	_ =	shalt  }
0x50: {  	_ =	shalt  }
0x51: {  	_ =	shalt  }
0x52: {  	_ =	shalt  }
0x53: {  	_ =	shalt  }
0x54: {  	_ =	shalt  }
0x55: {  	_ =	shalt  }
0x56: {  	_ =	shalt  }
0x57: {  	_ =	shalt  }
0x58: {  	_ =	shalt  }
0x59: {  	_ =	shalt  }
0x5a: {  	_ =	shalt  }
0x5b: {  	_ =	shalt  }
0x5c: {  	_ =	shalt  }
0x5d: {  	_ =	shalt  }
0x5e: {  	_ =	shalt  }
0x5f: {  	_ =	shalt  }
0x60: {  	_ =	shalt  }
0x61: {  	_ =	shalt  }
0x62: {  	_ =	shalt  }
0x63: {  	_ =	shalt  }
0x64: {  	_ =	shalt  }
0x65: {  	_ =	shalt  }
0x66: {  	_ =	shalt  }
0x67: {  	_ =	shalt  }
0x68: {  	_ =	shalt  }
0x69: {  	_ =	shalt  }
0x6a: {  	_ =	shalt  }
0x6b: {  	_ =	shalt  }
0x6c: {  	_ =	shalt  }
0x6d: {  	_ =	shalt  }
0x6e: {  	_ =	shalt  }
0x6f: {  	_ =	shalt  }
0x70: {  	_ =	shalt  }
0x71: {  	_ =	shalt  }
0x72: {  	_ =	shalt  }
0x73: {  	_ =	shalt  }
0x74: {  	_ =	shalt  }
0x75: {  	_ =	shalt  }
0x76: {  	_ =	shalt  }
0x77: {  	_ =	shalt  }
0x78: {  	_ =	shalt  }
0x79: {  	_ =	shalt  }
0x7a: {  	_ =	shalt  }
0x7b: {  	_ =	shalt  }
0x7c: {  	_ =	shalt  }
0x7d: {  	_ =	shalt  }
0x7e: {  	_ =	shalt  }
0x7f: {  	_ =	shalt  }
0x80: {  	_ =	shalt  }
0x81: {  	_ =	shalt  }
0x82: {  	_ =	shalt  }
0x83: {  	_ =	shalt  }
0x84: {  	_ =	shalt  }
0x85: {  	_ =	shalt  }
0x86: {  	_ =	shalt  }
0x87: {  	_ =	shalt  }
.Lfunc_end0:
.L_simem_size_0:
called_computation.1_lowered:
.L_overlay_start_0:
0x88: {  	s2 =	sld [smem:$0x3FD9]  }
0x89: {  	s3 =	sld [smem:$0x3FFE];
	_ =	sdelay $0x1  }
0x8a: {  	s1 =	srdreg.scid  }
0x8b: {  	s0 =	sand.u32 $0x1, s1  }
0x8c: {  	s17 =	sshll.u32 s0, $0xA;
	s2 =	sadd.s32 s3, s2  }
0x8d: {  	s2 =	sadd.s32 s2, s17  }
0x8e: {  	[smem:$0x3FC6] =	sst s2  }
0x8f: {  	_ = 	snop  }
0x90: {  	s2 =	sld [smem:$0x3FD0];
	(tm) =	ssettm $0x1  }
0x91: {  	s18 =	sld [smem:$0x3FFB];
	_ =	sdelay $0x3  }
0x92: {  	_ =	strace s18  }
0x93: {  	s3 =	sld [smem:$0x3FFC];
	_ =	sdelay $0x3  }
0x94: {  	_ =	strace s3  }
0x95: {  	s3 =	sld [smem:$0x3FFD];
	_ =	sdelay $0x3  }
0x96: {  	_ =	strace s3  }
0x97: {  	_ =	strace $0x8FFFFFFF  }
0x98: {  	s19 =	sld [smem:$0x3FDB];
	_ =	sdelay $0x1  }
0x99: {  	s4 =	simm.s32 $_scs_section_size  }
0x9a: {  	s5 =	simm.s32 $_size__tile_overlayer_lowered;
	s6 =	simm.s32 $_tile_overlayer_lowered  }
0x9b: {  	s22 =	simm.s32 $0x1BFF;
	s21 =	sshll.u32 s6, $0x1;
	s3 =	sadd.s32 s4, s19  }
0x9c: {  	s7 =	simm.s32 $0x0;
	s20 =	sshll.u32 s5, $0x1;
	s5 =	sadd.s32 s21, s3  }
0x9d: {  	[timem:s7], [sflag:s22] =	dma.local [hbm:s5], s20  }
0x9e: {  	_ =	swait.ge [sflag:s22], s20  }
0x9f: {  	s4 =	ssub.s32 $0x0, s20;
	[sflag:s22] =	ssyncset.done $0x0  }
0xa0: {  	[sflag:s22] =	ssyncadd.s32 s4;
	_ =	sdelay $0x1  }
0xa1: {  	s23 =	simm.s32 $0x1B8B  }
0xa2: {  	_ =	swait.ge [sflag:s23], $0x1  }
0xa3: {  	[sflag:s23] =	ssyncset.done $0x0  }
0xa4: {  	s25 =	simm.s32 $0x1B8E;
	s24 =	sld [smem:$0x3FFE];
	[sflag:s23] =	ssyncadd.s32 $0xFFFFFFFF  }
0xa5: {  	s26 =	simm.s32 $execute0_lowered;
	[smem:$0x3FD2] =	sst s25  }
0xa6: {  	s5 =	sshll.u32 s26, $0x1;
	_ =	strace $0x80000046;
	[dreg:$0x1] =	wrdreg $0xFFFFFFFF  }
0xa7: {  	s28 =	simm.s32 $_size_execute0_lowered;
	s3 =	sadd.s32 s3, s5;
	[dreg:$0x0] =	wrdreg $0x0  }
0xa8: {  	s5 =	sshll.u32 s28, $0x1;
	[dreg:$0x2] =	wrdreg s3  }
0xa9: {  	[dreg:$0x3] =	wrdreg s5  }
0xaa: {  	[dreg:$0x4] =	wrdreg $0xC0  }
0xab: {  	_ =	task [dreg:s7], $0x5FFFF  }
0xac: {  	[dreg:$0x1] =	wrdreg $0xFFFFFFFF  }
0xad: {  	[dreg:$0x0] =	wrdreg $0x60  }
0xae: {  	[dreg:$0x2] =	wrdreg s24  }
0xaf: {  	[dreg:$0x3] =	wrdreg s2  }
0xb0: {  	[dreg:$0x4] =	wrdreg $0x145000  }
0xb1: {  	[dreg:$0x5] =	wrdreg $0x9  }
0xb2: {  	_ =	task.clear_ibuf [dreg:s7], $0x6FFFF;
	_ =	strace $0x90000046  }
0xb3: {  	s29 =	simm.s32 $0x9;
	_ =	strace $0x80000048  }
0xb4: {  	_ =	swait.ge [sflag:s29], $0x1  }
0xb5: {  	[sflag:s29] =	ssyncadd.s32 $0xFFFFFFFF  }
0xb6: {  	_ =	strace $0x90000048  }
0xb7: {  	_ =	sfence  }
0xb8: {  	s30 =	sld [smem:$0x0];
	_ =	sdelay $0x2  }
0xb9: {  	s31 =	sshll.u32 s1, $0xD;
	s1 =	sshrl.u32 s1, $0x2  }
0xba: {  	s3 =	sand.u32 $0x4000, s31;
	s1 =	sadd.s32 s1, s30  }
0xbb: {  	s0 =	sor.u32 s3, s0;
	s1 =	sshll.u32 s1, $0x11  }
0xbc: {  	s0 =	sor.u32 s1, s0  }
0xbd: {  	s0 =	sadd.s32 $0x8F2B, s0  }
0xbe: {  	[sflag:s0] =	ssyncadd.remote.s32 $0x1  }
0xbf: {  	_ =	sfence.sel $0xFFFF  }
0xc0: {  	[dreg:$0x0] =	wrdreg $0xFFFFFFFF;
	(pc) =	sbr.abs _section_cstart, $3  }
0xc1: {  	[dreg:$0x1] =	wrdreg $0xFFFFFFFF  }
0xc2: {  	_ =	task.clear_ibuf [dreg:s7], $0x2FFFF;
	_ =	strace $0x9FFFFFFF  }
0xc3: {  	(tm) =	ssettm $0x7FFFFFFF  }
tec
execute0_lowered:
.L_overlay_start_1:
0x0: {  	(tag) =	ssettag $0x1  }
0x1: {  	s0 =	rddreg [dreg:$0x0];
	s1 =	srdreg.scid  }
0x2: {  	s3 =	stileid.u32;
	s4 =	rddreg [dreg:$0x1]  }
0x3: {  	s13 =	simm.s32 $0x5;
	s14 =	simm.s32 $0x80;
	s15 =	simm.s32 $0x500  }
0x4: {  	s16 =	simm.s32 $0x100;
	s28 =	simm.s32 $0xE500;
	s29 =	simm.s32 $0x400  }
0x5: {  	s30 =	simm.s32 $0xE500;
	s31 =	simm.s32 $0x400;
	s5 =	sand.u32 $0x1, s1  }
0x6: {  	s2 =	sshll.u32 s3, $0x1;
	s1 =	rddreg [dreg:$0x2];
	s9 =	smul.u32 $0x640, s3  }
0x7: {  	s10 =	sadd.s32 $0x4800, s0;
	s0 =	sadd.s32 $0x800, s0;
	s24 =	smul.u32 $0x190000, s3  }
0x8: {  	p0 =	sne.s32 s3, $0x0;
	s6 =	sor.u32 s5, s2;
	s12 =	smul.u32 $0x320, s5  }
0x9: {  	s2 =	simm.s32 $0x0;
	s8 =	ssub.s32 $0x2, s5;
	s5 =	smul.u32 $0xC8000, s5  }
0xa: {  	s3 =	simm.s32 $0x12500;
	s7 =	smul.u32 $0x3200, s6;
	[smem:$0x7FF] =	sst s2  }
0xb: {  	s6 =	smul.u32 $0x640000, s6;
	s11 =	sshrl.u32 s8, $0x1;
	_ =	strace $0x80000047  }
0xc: {  	[dreg:$0x6] =	wrdreg s0;
	s17 =	ssub.s32 s8, s11;
	s19 =	sadd.s32 s12, s9  }
0xd: {  	s12 =	simm.s32 $0x280;
	s11 =	simm.s32 $0x2500;
	s9 =	simm.s32 $0x0  }
0xe: {  	s6 =	sshrl.u32 s6, $0x3;
	s18 =	sadd.s32 s10, s7;
	s21 =	sshll.u32 s19, $0x4  }
0xf: {  	s0 =	smax.u32 s17, $0x1;
	s7 =	sshll.u32 s19, $0xA;
	s17 =	simm.s32 $0x4500  }
0x10: {  	s19 =	simm.s32 $0x6500;
	s6 =	sadd.s32 s4, s6;
	[dreg:$0x7] =	wrdreg s18  }
0x11: {  	s8 =	sadd.s32 $0x50, s18;
	[dreg:$0xb] =	wrdreg s0;
	s22 =	sadd.s32 s21, s10  }
0x12: {  	s25 =	sadd.s32 s7, s4;
	s4 =	sadd.s32 s24, s4;
	s18 =	simm.s32 $0x180  }
0x13: {  	s21 =	simm.s32 $0x8500;
	[dreg:$0x8] =	wrdreg s8;
	s20 =	sadd.s32 $0xC5800, s6  }
0x14: {  	s24 =	simm.s32 $0xA500;
	s6 =	sadd.s32 $0xC6C00, s6;
	[dreg:$0x9] =	wrdreg s20  }
0x15: {  	s7 =	simm.s32 $0x2;
	s23 =	sadd.s32 $0xF0, s22;
	[dreg:$0xa] =	wrdreg s6  }
0x16: {  	s0 =	sadd.s32 $0xA0, s22;
	s26 =	sadd.s32 s5, s4;
	[dreg:$0x4] =	wrdreg s23  }
0x17: {  	s22 =	simm.s32 $0x300;
	s5 =	simm.s32 $0x1;
	[dreg:$0x5] =	wrdreg s0  }
0x18: {  	s8 =	simm.s32 $0x4;
	s6 =	sadd.s32 $0x1400, s25;
	[dreg:$0xd] =	wrdreg s26  }
0x19: {  	s0 =	sshrl.u32 @!p0 s1, $0x3;
	s20 =	simm.s32 $0x200;
	s23 =	simm.s32 $0x6  }
0x1a: {  	s25 =	simm.s32 $0xC500;
	s26 =	simm.s32 $0x380;
	[dreg:$0xc] =	wrdreg s6  }
0x1b: {  	[dreg:$0xe] =	wrdreg s0;
	s0 =	simm.s32 $0x10500;
	s6 =	simm.s32 $0x3  }
.LBB2_1:
0x1c: {  	[dreg:$0xf] =	wrdreg s9  }
0x1d: {  	s4 =	rddreg [dreg:$0x6]  }
0x1e: {  	s9 =	simm.s32 @!p0 $0x1C07;
	s10 =	rddreg [dreg:$0xe]  }
0x1f: {  	[spmem:s10], [sflag:s9] =	dma.local @!p0 [hbm:s4], $0x4000  }
0x20: {  	s9 =	simm.s32 @!p0 $0x7  }
0x21: {  	_ =	swait.ge @!p0 [sflag:s9], $0x4000  }
0x22: {  	[sflag:s9] =	ssyncset.done @!p0 $0x0  }
0x23: {  	[sflag:s9] =	ssyncadd.s32 @!p0 $0xFFFFC000  }
0x24: {  	[bflag:$0x0] =	sbarrier.arrive $0xFFFF  }
0x25: {  	s10 =	rddreg [dreg:$0x7]  }
0x26: {  	[tilespmem:s2], [sflag:$0x5] =	stream.linear.gather [hbm4b:s10+s2], $0x280, $0x38;
	[tilespmem:$0x16500] =	vst v63  }
0x27: {  	s9 =	rddreg [dreg:$0x8]  }
0x28: {  	[tilespmem:s12], [sflag:$0x6] =	stream.linear.gather [hbm4b:s9+s2], $0x280, $0x38;
	[tilespmem:$0x16500] =	vst v63  }
0x29: {  	_ =	swait.ge [sflag:s13], $0x280  }
0x2a: {  	[sflag:s13] =	ssyncset.done $0x0  }
0x2b: {  	[sflag:s13] =	ssyncadd.s32 $0xFFFFFD80  }
0x2c: {  	[tilespmem:s15], [sflag:$0x1] =	stream.indirect.gather [spmem:s1], $0x40, s2, s14, $0xb8;
	[tilespmem:$0x16500] =	vst v63  }
0x2d: {  	_ = 	snop  }
0x2e: {  	[tilespmem:s11], [sflag:$0x1] =	stream.indirect.gather [spmem:s1], $0x40, s14, s14, $0xb8;
	[tilespmem:$0x16500] =	vst v63  }
0x2f: {  	_ = 	snop  }
0x30: {  	[tilespmem:s17], [sflag:$0x1] =	stream.indirect.gather [spmem:s1], $0x40, s16, s14, $0xb8;
	[tilespmem:$0x16500] =	vst v63  }
0x31: {  	_ = 	snop  }
0x32: {  	[tilespmem:s19], [sflag:$0x1] =	stream.indirect.gather [spmem:s1], $0x40, s18, s14, $0xb8;
	[tilespmem:$0x16500] =	vst v63  }
0x33: {  	_ = 	snop  }
0x34: {  	[tilespmem:s21], [sflag:$0x1] =	stream.indirect.gather [spmem:s1], $0x40, s20, s14, $0xb8;
	[tilespmem:$0x16500] =	vst v63  }
0x35: {  	_ =	swait.ge [sflag:s23], $0x280  }
0x36: {  	[sflag:s23] =	ssyncset.done $0x0  }
0x37: {  	[sflag:s23] =	ssyncadd.s32 $0xFFFFFD80  }
0x38: {  	[tilespmem:s24], [sflag:$0x2] =	stream.indirect.gather [spmem:s1], $0x40, s12, s14, $0xb8;
	[tilespmem:$0x16500] =	vst v63  }
0x39: {  	_ = 	snop  }
0x3a: {  	[tilespmem:s25], [sflag:$0x2] =	stream.indirect.gather [spmem:s1], $0x40, s22, s14, $0xb8;
	[tilespmem:$0x16500] =	vst v63  }
0x3b: {  	_ = 	snop  }
0x3c: {  	[tilespmem:s28], [sflag:$0x2] =	stream.indirect.gather [spmem:s1], $0x40, s26, s14, $0xb8;
	[tilespmem:$0x16500] =	vst v63  }
0x3d: {  	_ = 	snop  }
0x3e: {  	[tilespmem:s0], [sflag:$0x2] =	stream.indirect.gather [spmem:s1], $0x40, s29, s14, $0xb8;
	[tilespmem:$0x16500] =	vst v63  }
0x3f: {  	s10 =	simm.s32 $0x480  }
0x40: {  	[tilespmem:s3], [sflag:$0x2] =	stream.indirect.gather [spmem:s1], $0x40, s10, s14, $0xb8;
	[tilespmem:$0x16500] =	vst v63  }
0x41: {  	_ =	swait.ge [sflag:s5], $0xA000  }
0x42: {  	[sflag:s5] =	ssyncset.done $0x0;
	s4 =	rddreg [dreg:$0x5]  }
0x43: {  	s10 =	rddreg [dreg:$0xd];
	[sflag:s5] =	ssyncadd.s32 $0xFFFF6000  }
0x44: {  	[hbm4b:s10+s2] =	stream.linear.scatter [tilespmem:s15], [sflag:$0x3], $0xA000, $0x38;
	[tilespmem:$0x16500] =	vst v63  }
0x45: {  	s9 =	sadd.s32 $0x0, s4  }
0x46: {  	[tilespmem:s2], [sflag:$0x5] =	stream.linear.gather [hbm4b:s9+s2], $0x280, $0x38;
	[tilespmem:$0x16500] =	vst v63  }
0x47: {  	_ =	swait.ge [sflag:s6], $0xA000  }
0x48: {  	[sflag:s6] =	ssyncset.done $0x0  }
0x49: {  	[sflag:s6] =	ssyncadd.s32 $0xFFFF6000  }
0x4a: {  	_ =	swait.ge [sflag:s13], $0x280  }
0x4b: {  	[sflag:s13] =	ssyncset.done $0x0  }
0x4c: {  	[sflag:s13] =	ssyncadd.s32 $0xFFFFFD80  }
0x4d: {  	[tilespmem:s15], [sflag:$0x1] =	stream.indirect.gather [spmem:s1], $0x40, s2, s14, $0xb8;
	[tilespmem:$0x16500] =	vst v63  }
0x4e: {  	_ = 	snop  }
0x4f: {  	[tilespmem:s11], [sflag:$0x1] =	stream.indirect.gather [spmem:s1], $0x40, s14, s14, $0xb8;
	[tilespmem:$0x16500] =	vst v63  }
0x50: {  	_ = 	snop  }
0x51: {  	[tilespmem:s17], [sflag:$0x1] =	stream.indirect.gather [spmem:s1], $0x40, s16, s14, $0xb8;
	[tilespmem:$0x16500] =	vst v63  }
0x52: {  	_ = 	snop  }
0x53: {  	[tilespmem:s19], [sflag:$0x1] =	stream.indirect.gather [spmem:s1], $0x40, s18, s14, $0xb8;
	[tilespmem:$0x16500] =	vst v63  }
0x54: {  	_ = 	snop  }
0x55: {  	[tilespmem:s21], [sflag:$0x1] =	stream.indirect.gather [spmem:s1], $0x40, s20, s14, $0xb8;
	[tilespmem:$0x16500] =	vst v63  }
0x56: {  	_ =	swait.ge [sflag:s7], $0xA000  }
0x57: {  	[sflag:s7] =	ssyncset.done $0x0;
	s19 =	rddreg [dreg:$0x4]  }
0x58: {  	s20 =	rddreg [dreg:$0xc];
	[sflag:s7] =	ssyncadd.s32 $0xFFFF6000  }
0x59: {  	[hbm4b:s20+s2] =	stream.linear.scatter [tilespmem:s24], [sflag:$0x4], $0xA000, $0x38;
	[tilespmem:$0x16500] =	vst v63  }
0x5a: {  	s9 =	sadd.s32 $0x0, s19  }
0x5b: {  	[tilespmem:s12], [sflag:$0x6] =	stream.linear.gather [hbm4b:s9+s2], $0x280, $0x38;
	[tilespmem:$0x16500] =	vst v63  }
0x5c: {  	_ =	swait.ge [sflag:s8], $0xA000  }
0x5d: {  	[sflag:s8] =	ssyncset.done $0x0  }
0x5e: {  	[sflag:s8] =	ssyncadd.s32 $0xFFFF6000  }
0x5f: {  	_ =	swait.ge [sflag:s23], $0x280  }
0x60: {  	[sflag:s23] =	ssyncset.done $0x0  }
0x61: {  	s10 =	sadd.s32 $0x2800, s10;
	s11 =	simm.s32 $0xA0;
	[sflag:s23] =	ssyncadd.s32 $0xFFFFFD80  }
0x62: {  	[tilespmem:s24], [sflag:$0x2] =	stream.indirect.gather [spmem:s1], $0x40, s12, s14, $0xb8;
	[tilespmem:$0x16500] =	vst v63  }
0x63: {  	s17 =	simm.s32 $0x2500;
	s18 =	simm.s32 $0x100;
	s21 =	simm.s32 $0x6500  }
0x64: {  	[tilespmem:s25], [sflag:$0x2] =	stream.indirect.gather [spmem:s1], $0x40, s22, s14, $0xb8;
	[tilespmem:$0x16500] =	vst v63  }
0x65: {  	s19 =	simm.s32 $0x4500;
	s9 =	sadd.s32 $0x2800, s20;
	s20 =	simm.s32 $0x180  }
0x66: {  	[tilespmem:s28], [sflag:$0x2] =	stream.indirect.gather [spmem:s1], $0x40, s26, s14, $0xb8;
	[tilespmem:$0x16500] =	vst v63  }
0x67: {  	s25 =	simm.s32 $0x8500;
	s22 =	simm.s32 $0x200;
	s28 =	simm.s32 $0xC500  }
0x68: {  	[tilespmem:s0], [sflag:$0x2] =	stream.indirect.gather [spmem:s1], $0x40, s29, s14, $0xb8;
	[tilespmem:$0x16500] =	vst v63  }
0x69: {  	s26 =	simm.s32 $0x300;
	s0 =	simm.s32 $0x10500;
	s29 =	simm.s32 $0x380  }
.LBB2_2:
0x6a: {  	s4 =	simm.s32 $0x480  }
0x6b: {  	[tilespmem:s3], [sflag:$0x2] =	stream.indirect.gather [spmem:s1], $0x40, s4, s14, $0xb8;
	[tilespmem:$0x16500] =	vst v63  }
0x6c: {  	_ =	swait.ge [sflag:s5], $0xA000  }
0x6d: {  	[sflag:s5] =	ssyncset.done $0x0  }
0x6e: {  	s4 =	smov.u32 s11;
	s16 =	rddreg [dreg:$0x5];
	[sflag:s5] =	ssyncadd.s32 $0xFFFF6000  }
0x6f: {  	[hbm4b:s10+s2] =	stream.linear.scatter [tilespmem:s15], [sflag:$0x3], $0xA000, $0x38;
	[tilespmem:$0x16500] =	vst v63  }
0x70: {  	s16 =	sadd.s32 s4, s16  }
0x71: {  	[tilespmem:s2], [sflag:$0x5] =	stream.linear.gather [hbm4b:s16+s2], $0x280, $0x38;
	[tilespmem:$0x16500] =	vst v63  }
0x72: {  	_ =	swait.ge [sflag:s6], $0xA000  }
0x73: {  	[sflag:s6] =	ssyncset.done $0x0  }
0x74: {  	[sflag:s6] =	ssyncadd.s32 $0xFFFF6000  }
0x75: {  	_ =	swait.ge [sflag:s13], $0x280  }
0x76: {  	[sflag:s13] =	ssyncset.done $0x0  }
0x77: {  	[sflag:s13] =	ssyncadd.s32 $0xFFFFFD80  }
0x78: {  	[tilespmem:s15], [sflag:$0x1] =	stream.indirect.gather [spmem:s1], $0x40, s2, s14, $0xb8;
	[tilespmem:$0x16500] =	vst v63  }
0x79: {  	_ = 	snop  }
0x7a: {  	[tilespmem:s17], [sflag:$0x1] =	stream.indirect.gather [spmem:s1], $0x40, s14, s14, $0xb8;
	[tilespmem:$0x16500] =	vst v63  }
0x7b: {  	_ = 	snop  }
0x7c: {  	[tilespmem:s19], [sflag:$0x1] =	stream.indirect.gather [spmem:s1], $0x40, s18, s14, $0xb8;
	[tilespmem:$0x16500] =	vst v63  }
0x7d: {  	_ = 	snop  }
0x7e: {  	[tilespmem:s21], [sflag:$0x1] =	stream.indirect.gather [spmem:s1], $0x40, s20, s14, $0xb8;
	[tilespmem:$0x16500] =	vst v63  }
0x7f: {  	_ = 	snop  }
0x80: {  	[tilespmem:s25], [sflag:$0x1] =	stream.indirect.gather [spmem:s1], $0x40, s22, s14, $0xb8;
	[tilespmem:$0x16500] =	vst v63  }
0x81: {  	_ =	swait.ge [sflag:s7], $0xA000  }
0x82: {  	[sflag:s7] =	ssyncset.done $0x0  }
0x83: {  	s16 =	rddreg [dreg:$0x4];
	[sflag:s7] =	ssyncadd.s32 $0xFFFF6000  }
0x84: {  	[hbm4b:s9+s2] =	stream.linear.scatter [tilespmem:s24], [sflag:$0x4], $0xA000, $0x38;
	[tilespmem:$0x16500] =	vst v63  }
0x85: {  	s4 =	sadd.s32 s4, s16  }
0x86: {  	[tilespmem:s12], [sflag:$0x6] =	stream.linear.gather [hbm4b:s4+s2], $0x280, $0x38;
	[tilespmem:$0x16500] =	vst v63  }
0x87: {  	_ =	swait.ge [sflag:s8], $0xA000  }
0x88: {  	[sflag:s8] =	ssyncset.done $0x0  }
0x89: {  	[sflag:s8] =	ssyncadd.s32 $0xFFFF6000  }
0x8a: {  	_ =	swait.ge [sflag:s23], $0x280  }
0x8b: {  	[sflag:s23] =	ssyncset.done $0x0  }
0x8c: {  	[sflag:s23] =	ssyncadd.s32 $0xFFFFFD80  }
0x8d: {  	[tilespmem:s24], [sflag:$0x2] =	stream.indirect.gather [spmem:s1], $0x40, s12, s14, $0xb8;
	[tilespmem:$0x16500] =	vst v63  }
0x8e: {  	p1 =	sne.s32 s11, $0x30C0  }
0x8f: {  	[tilespmem:s28], [sflag:$0x2] =	stream.indirect.gather [spmem:s1], $0x40, s26, s14, $0xb8;
	[tilespmem:$0x16500] =	vst v63  }
.Ltmp0:
0x90: {  	_ = 	snop;
	(pc) =	sbr.rel @p1 .LBB2_2-.Ltmp0, $4  }
0x91: {  	_ = 	snop  }
0x92: {  	[tilespmem:s30], [sflag:$0x2] =	stream.indirect.gather [spmem:s1], $0x40, s29, s14, $0xb8;
	[tilespmem:$0x16500] =	vst v63  }
0x93: {  	s11 =	sadd.s32 $0xA0, s11;
	s10 =	sadd.s32 $0x2800, s10;
	s9 =	sadd.s32 $0x2800, s9  }
0x94: {  	[tilespmem:s0], [sflag:$0x2] =	stream.indirect.gather [spmem:s1], $0x40, s31, s14, $0xb8;
	[tilespmem:$0x16500] =	vst v63  }
0x95: {  	s0 =	simm.s32 $0x480  }
0x96: {  	[tilespmem:s3], [sflag:$0x2] =	stream.indirect.gather [spmem:s1], $0x40, s0, s14, $0xb8;
	[tilespmem:$0x16500] =	vst v63  }
0x97: {  	_ =	swait.ge [sflag:s5], $0xA000  }
0x98: {  	[sflag:s5] =	ssyncset.done $0x0  }
0x99: {  	s4 =	rddreg [dreg:$0x9];
	[sflag:s5] =	ssyncadd.s32 $0xFFFF6000  }
0x9a: {  	[hbm4b:s4+s2] =	stream.linear.scatter [tilespmem:s15], [sflag:$0x3], $0xA000, $0x38;
	[tilespmem:$0x16500] =	vst v63  }
0x9b: {  	_ =	swait.ge [sflag:s7], $0xA000  }
0x9c: {  	[sflag:s7] =	ssyncset.done $0x0  }
0x9d: {  	s25 =	rddreg [dreg:$0xa];
	[sflag:s7] =	ssyncadd.s32 $0xFFFF6000  }
0x9e: {  	[hbm4b:s25+s2] =	stream.linear.scatter [tilespmem:s24], [sflag:$0x4], $0xA000, $0x38;
	[tilespmem:$0x16500] =	vst v63  }
0x9f: {  	_ =	swait.ge [sflag:s6], $0xA000  }
0xa0: {  	[sflag:s6] =	ssyncset.done $0x0  }
0xa1: {  	[sflag:s6] =	ssyncadd.s32 $0xFFFF6000  }
0xa2: {  	_ =	swait.ge [sflag:s8], $0xA000  }
0xa3: {  	s9 =	rddreg [dreg:$0xf]  }
0xa4: {  	s26 =	rddreg [dreg:$0xb];
	s9 =	sadd.s32 $0x1, s9  }
0xa5: {  	s11 =	simm.s32 $0x2500;
	p1 =	sne.s32 s9, s26  }
.Ltmp1:
0xa6: {  	s16 =	simm.s32 $0x100;
	s17 =	simm.s32 $0x4500;
	(pc) =	sbr.rel @p1 .LBB2_1-.Ltmp1, $4  }
0xa7: {  	s18 =	simm.s32 $0x180;
	s19 =	simm.s32 $0x6500;
	s20 =	simm.s32 $0x200  }
0xa8: {  	s21 =	simm.s32 $0x8500;
	s22 =	simm.s32 $0x300;
	s28 =	simm.s32 $0xE500  }
0xa9: {  	s29 =	simm.s32 $0x400;
	s0 =	simm.s32 $0x10500;
	[sflag:s8] =	ssyncset.done $0x0  }
0xaa: {  	s25 =	simm.s32 $0xC500;
	[sflag:s8] =	ssyncadd.s32 $0xFFFF6000;
	s26 =	simm.s32 $0x380  }
0xab: {  	_ =	sfence.sel $0x180000  }
0xac: {  	[bflag:$0x0] =	sbarrier.arrive $0xFFFF  }
0xad: {  	_ =	strace $0x90000047  }
0xae: {  	[bflag:$0x2] =	sbarrier.arrive $0xFFFF  }
0xaf: {  	s0 =	rddreg [dreg:$0x3]  }
0xb0: {  	s0 =	sadd.s32 @!p0 $0x100000, s0  }
0xb1: {  	[sflag:s0] =	ssyncadd.tile.s32 @!p0 $0x1;
	_ =	shalt  }
.Lfunc_end2:
_tile_overlayer_lowered:
.L_overlay_start_2:
0xb2: {  	(tag) =	ssettag $0x2  }
0xb3: {  	s0 =	rddreg [dreg:$0x0];
	s2 =	stileid.u32  }
0xb4: {  	s1 =	rddreg [dreg:$0x1];
	p0 =	sne.s32 s2, $0x0  }
0xb5: {  	s3 =	rddreg [dreg:$0x2];
	[bflag:$0x3] =	sbarrier.arrive $0xFFFF;
	s2 =	simm.s32 @!p0 $0x1C07  }
0xb6: {  	[timem:s3], [sflag:s2] =	dma.local @!p0 [hbm:s0], s1  }
0xb7: {  	s0 =	simm.s32 @!p0 $0x7  }
0xb8: {  	_ =	swait.ge @!p0 [sflag:s0], s1  }
0xb9: {  	s1 =	ssub.s32 @!p0 $0x0, s1;
	[sflag:s0] =	ssyncset.done @!p0 $0x0  }
0xba: {  	[sflag:s0] =	ssyncadd.s32 @!p0 s1  }
0xbb: {  	[bflag:$0x3] =	sbarrier.arrive $0xFFFF  }
0xbc: {  	_ =	shalt  }

// kernel: sparse-core-data-format-call.cloned.1.call-start
scs
called_computation_lowered:
.L_overlay_start_0:
0x0: {  	s2 =	sld [smem:$0x3FD9]  }
0x1: {  	s3 =	sld [smem:$0x3FFE];
	_ =	sdelay $0x1  }
0x2: {  	s1 =	srdreg.scid  }
0x3: {  	s0 =	sand.u32 $0x1, s1  }
0x4: {  	s18 =	sshll.u32 s0, $0xA;
	s2 =	sadd.s32 s3, s2  }
0x5: {  	s2 =	sadd.s32 s2, s18  }
0x6: {  	[smem:$0x3FC6] =	sst s2  }
0x7: {  	_ = 	snop  }
0x8: {  	s2 =	sld [smem:$0x3FD0];
	(tm) =	ssettm $0x1  }
0x9: {  	s19 =	sld [smem:$0x3FFB];
	_ =	sdelay $0x3  }
0xa: {  	_ =	strace s19  }
0xb: {  	s3 =	sld [smem:$0x3FFC];
	_ =	sdelay $0x3  }
0xc: {  	_ =	strace s3  }
0xd: {  	s3 =	sld [smem:$0x3FFD];
	_ =	sdelay $0x3  }
0xe: {  	_ =	strace s3  }
0xf: {  	_ =	strace $0x8FFFFFFF  }
0x10: {  	s20 =	sld [smem:$0x3FDB];
	_ =	sdelay $0x1  }
0x11: {  	s4 =	simm.s32 $_scs_section_size  }
0x12: {  	s5 =	simm.s32 $_size__tile_overlayer_lowered;
	s6 =	simm.s32 $_tile_overlayer_lowered  }
0x13: {  	s23 =	simm.s32 $0x1BFF;
	s22 =	sshll.u32 s6, $0x1;
	s3 =	sadd.s32 s4, s20  }
0x14: {  	s7 =	simm.s32 $0x0;
	s21 =	sshll.u32 s5, $0x1;
	s5 =	sadd.s32 s22, s3  }
0x15: {  	[timem:s7], [sflag:s23] =	dma.local [hbm:s5], s21  }
0x16: {  	_ =	swait.ge [sflag:s23], s21  }
0x17: {  	s4 =	ssub.s32 $0x0, s21;
	[sflag:s23] =	ssyncset.done $0x0  }
0x18: {  	[sflag:s23] =	ssyncadd.s32 s4;
	_ =	sdelay $0x1  }
0x19: {  	s24 =	simm.s32 $0x1B8B  }
0x1a: {  	_ =	swait.ge [sflag:s24], $0x1  }
0x1b: {  	[sflag:s24] =	ssyncset.done $0x0  }
0x1c: {  	s26 =	simm.s32 $0x1B8E;
	s25 =	sld [smem:$0x3FFE];
	[sflag:s24] =	ssyncadd.s32 $0xFFFFFFFF  }
0x1d: {  	s27 =	simm.s32 $execute0_lowered;
	[smem:$0x3FD2] =	sst s26  }
0x1e: {  	s5 =	sshll.u32 s27, $0x1;
	_ =	strace $0x80000049;
	[dreg:$0x1] =	wrdreg $0xFFFFFFFF  }
0x1f: {  	s28 =	simm.s32 $_size_execute0_lowered;
	s3 =	sadd.s32 s3, s5;
	[dreg:$0x0] =	wrdreg $0x0  }
0x20: {  	s5 =	sshll.u32 s28, $0x1;
	[dreg:$0x2] =	wrdreg s3  }
0x21: {  	[dreg:$0x3] =	wrdreg s5  }
0x22: {  	[dreg:$0x4] =	wrdreg $0xC0  }
0x23: {  	_ =	task [dreg:s7], $0x5FFFF  }
0x24: {  	[dreg:$0x1] =	wrdreg $0xFFFFFFFF  }
0x25: {  	[dreg:$0x0] =	wrdreg $0x60  }
0x26: {  	[dreg:$0x2] =	wrdreg s25  }
0x27: {  	[dreg:$0x3] =	wrdreg s2  }
0x28: {  	[dreg:$0x4] =	wrdreg $0x9  }
0x29: {  	_ =	task.clear_ibuf [dreg:s7], $0x5FFFF;
	_ =	strace $0x90000049  }
0x2a: {  	s29 =	simm.s32 $0x9;
	_ =	strace $0x8000004B  }
0x2b: {  	_ =	swait.ge [sflag:s29], $0x1  }
0x2c: {  	[sflag:s29] =	ssyncadd.s32 $0xFFFFFFFF  }
0x2d: {  	_ =	strace $0x9000004B  }
0x2e: {  	_ =	sfence  }
0x2f: {  	s30 =	sld [smem:$0x0];
	_ =	sdelay $0x2  }
0x30: {  	s31 =	sshll.u32 s1, $0xD;
	s1 =	sshrl.u32 s1, $0x2  }
0x31: {  	s3 =	sand.u32 $0x4000, s31;
	s1 =	sadd.s32 s1, s30  }
0x32: {  	s0 =	sor.u32 s3, s0;
	s1 =	sshll.u32 s1, $0x11  }
0x33: {  	s0 =	sor.u32 s1, s0  }
0x34: {  	s0 =	sadd.s32 $0x8F2B, s0  }
0x35: {  	[sflag:s0] =	ssyncadd.remote.s32 $0x1  }
0x36: {  	_ =	sfence.sel $0xFFFF  }
0x37: {  	[dreg:$0x0] =	wrdreg $0xFFFFFFFF;
	(pc) =	sbr.abs _section_cstart, $3  }
0x38: {  	[dreg:$0x1] =	wrdreg $0xFFFFFFFF  }
0x39: {  	_ =	task.clear_ibuf [dreg:s7], $0x2FFFF;
	_ =	strace $0x9FFFFFFF  }
0x3a: {  	(tm) =	ssettm $0x7FFFFFFF  }
0x3b: {  	_ =	shalt  }
tec
execute0_lowered:
.L_overlay_start_1:
0x0: {  	(tag) =	ssettag $0x1  }
0x1: {  	s0 =	srdreg.scid  }
0x2: {  	s1 =	sshll.u32 s0, $0x4  }
0x3: {  	s0 =	stileid.u32;
	s1 =	sand.u32 $0x10, s1  }
0x4: {  	s1 =	sor.u32 s0, s1  }
0x5: {  	s6 =	rddreg [dreg:$0x0];
	s4 =	simm.s32 $0x1;
	s2 =	sshll.u32 s1, $0x7  }
0x6: {  	s7 =	simm.s32 $0x2;
	s12 =	simm.s32 $0x0;
	s1 =	ssub.s32 $0x4000, s2  }
0x7: {  	s8 =	simm.s32 $0x20000;
	s13 =	simm.s32 $0x0;
	s3 =	sand.u32 $0xF80, s1  }
0x8: {  	s9 =	simm.s32 $0x0;
	s5 =	sshrl.u32 s1, $0xC;
	p0 =	sne.s32 s3, $0x0  }
.Ltmp0:
0x9: {  	s1 =	rddreg [dreg:$0x2];
	s4 =	simm.s32 @!p0 $0x0;
	(pc) =	sbr.rel .LBB1_1-.Ltmp0, $4  }
0xa: {  	s11 =	simm.s32 $0x0;
	s3 =	rddreg [dreg:$0x1];
	s5 =	sadd.s32 s4, s5  }
0xb: {  	_ =	strace $0x8000004A;
	s4 =	simm.s32 $0x1;
	s5 =	smul.u32 $0xC8, s5  }
0xc: {  	s6 =	sadd.s32 $0x800, s6;
	s10 =	smov.u32 s2;
	[sflag:s4] =	ssyncpa.u1 $0x0  }
0xd: {  	p0 =	por $0x0, $0x0;
	[sflag:s7] =	ssyncpa.u1 $0x0;
	s7 =	sor.u32 $0x1, s5  }
.LBB1_4:
0xe: {  	s16 =	sshll.u32 s13, $0x3;
	s17 =	sand.u32 $0x78, s13  }
0xf: {  	s30 =	sand.u32 $0x1F800, s13;
	s12 =	sshll.u32 s12, $0x11;
	s16 =	sand.u32 $0x3C00, s16  }
0x10: {  	[tilespmem:s15+$0x810 ss:$0x81] =	vst.msk $0xffff, v2;
	s31 =	sand.u32 $0x7, s13;
	s16 =	sor.u32 s17, s16;
	s17 =	sadd.s32 s3, s30  }
0x11: {  	[tilespmem:s15+$0x1020 ss:$0x81] =	vst.msk $0xffff, v0;
	s13 =	sshll.u32 s31, $0x12;
	s12 =	sadd.s32 s12, s17;
	s16 =	sshrl.u32 s16, $0x3  }
0x12: {  	[tilespmem:s15+$0x0 ss:$0x81] =	vst.msk $0xffff, v1;
	s13 =	sor.u32 $0x400, s13;
	s12 =	sadd.s32 s16, s12  }
0x13: {  	[hbm4b:s12+s13] =	stream.strided.scatter [tilespmem:s14], [sflag:$0x2], $0x2000, s8, s13, $0x20;
	[tilespmem:$0x8080] =	vst v63  }
.LBB1_5:
0x14: {  	s14 =	sadd.s32 $0x1, s9  }
0x15: {  	s12 =	sadd.s32 $0x1000, s10;
	s16 =	smov.u32 s10;
	p2 =	sgt.s32 s14, $0xC7  }
0x16: {  	s16 =	smov.u32 @p2 s12  }
0x17: {  	s14 =	simm.s32 @p2 $0x0;
	p2 =	sgt.s32 s16, $0x3FFF  }
0x18: {  	s16 =	smov.u32 @p2 s2;
	p2 =	sne.s32 s11, s7  }
.Ltmp1:
0x19: {  	p1 =	slt.u32 s11, $0x2;
	(pc) =	sbr.rel @!p2 .LBB1_6-.Ltmp1, $4  }
0x1a: {  	s15 =	simm.s32 @!p1 $0x2  }
0x1b: {  	s13 =	smov.u32 s10;
	p0 =	por !p0, !p0;
	_ =	swait.ge @!p1 [sflag:s15], $0x2000  }
0x1c: {  	s12 =	smov.u32 s9;
	[sflag:s15] =	ssyncset.done @!p1 $0x0;
	s9 =	smov.u32 s14  }
0x1d: {  	s11 =	sadd.s32 $0x1, s11;
	[sflag:s15] =	ssyncadd.s32 @!p1 $0xFFFFE000;
	s10 =	smov.u32 s16  }
.LBB1_1:
0x1e: {  	p1 =	sge.u32 s11, s5  }
0x1f: {  	s14 =	sand.u32 @!p1 $0x1FFFFFF, s9  }
0x20: {  	s15 =	smulhi.u32 @!p1 $0x147AE15, s14;
	_ =	sdelay $0x1  }
0x21: {  	s15 =	smul.u32 @!p1 $0xC8, s15  }
0x22: {  	s16 =	sxor.u32 @!p1 $0xFFFFFFFF, s11;
	s17 =	smul.u32 @!p1 $0xC80, s10  }
0x23: {  	s31 =	sadd.s32 $0xFFFFFFFF, s11;
	s16 =	sshll.u32 @!p1 s16, $0xD;
	s14 =	ssub.s32 @!p1 s14, s15  }
0x24: {  	s15 =	sand.u32 @!p1 $0x2000, s16;
	s16 =	sadd.s32 @!p1 s6, s17;
	s14 =	sshll.u32 @!p1 s14, $0x4  }
0x25: {  	s17 =	simm.s32 @!p1 $0x6400;
	s14 =	sadd.s32 @!p1 s14, s16;
	s16 =	simm.s32 @!p1 $0x40  }
0x26: {  	[tilespmem:s15], [sflag:$0x1] =	stream.strided.gather @!p1 [hbm4b:s14+s16], $0x2000, s17, s16, $0x38;
	[tilespmem:$0x8080] =	vst v63  }
0x27: {  	p1 =	sge.u32 s31, s5  }
.Ltmp2:
0x28: {  	_ = 	snop;
	(pc) =	sbr.rel @p1 .LBB1_5-.Ltmp2, $1  }
0x29: {  	_ =	sdelay $0x3  }
0x2a: {  	s14 =	simm.s32 $0x1  }
0x2b: {  	_ =	swait.ge [sflag:s4], $0x2000;
	s14 =	simm.s32 @!p0 $0x0  }
0x2c: {  	[sflag:s4] =	ssyncset.done $0x0;
	s15 =	sshll.u32 s14, $0xD  }
0x2d: {  	[sflag:s4] =	ssyncadd.s32 $0xFFFFE000;
	s18 =	sor.u32 $0x20, s15  }
0x2e: {  	s14 =	smul.u32 $0x8100, s14;
	v3 =	vld [tilespmem:s18+$0x10]  }
0x2f: {  	s30 =	sand.u32 $0x1, s11;
	v2 =	vld [tilespmem:s18+$0xFFFFFFF0]  }
0x30: {  	s15 =	smul.u32 $0x8100, s30;
	s14 =	sshrl.u32 s14, $0x2;
	v0 =	vld [tilespmem:s18+$0x0]  }
0x31: {  	v1 =	vld [tilespmem:s18+$0xFFFFFFE0];
	s16 =	sor.u32 $0x4000, s14  }
0x32: {  	s31 =	sshrl.u32 s15, $0x2;
	s15 =	sadd.s32 $0x0, s16  }
0x33: {  	s17 =	simm.s32 $0x4;
	s18 =	sadd.s32 $0x40, s18;
	s14 =	sor.u32 $0x4000, s31;
	[tilespmem:s15+$0x1830 ss:$0x81] =	vst.msk $0xffff, v3  }
.LBB1_3:
0x34: {  	v3 =	vld [tilespmem:s18+$0x10];
	p1 =	sne.s32 s17, $0x1FC;
	[tilespmem:s15+$0x810 ss:$0x81] =	vst.msk $0xffff, v2;
	s19 =	smov.u32 s17;
	s17 =	sadd.s32 $0x4, s17  }
.Ltmp3:
0x35: {  	v2 =	vld [tilespmem:s18+$0xFFFFFFF0];
	[tilespmem:s15+$0x1020 ss:$0x81] =	vst.msk $0xffff, v0;
	(pc) =	sbr.rel @p1 .LBB1_3-.Ltmp3, $4  }
0x36: {  	v0 =	vld [tilespmem:s18+$0x0];
	[tilespmem:s15+$0x0 ss:$0x81] =	vst.msk $0xffff, v1  }
0x37: {  	s15 =	sshra.s32 s19, $0x2;
	v1 =	vld [tilespmem:s18+$0xFFFFFFE0]  }
0x38: {  	s15 =	sadd.s32 s15, s16  }
0x39: {  	s18 =	sadd.s32 $0x40, s18;
	[tilespmem:s15+$0x1830 ss:$0x81] =	vst.msk $0xffff, v3  }
.Ltmp4:
0x3a: {  	_ = 	snop;
	(pc) =	sbr.rel .LBB1_4-.Ltmp4, $1  }
0x3b: {  	_ =	sdelay $0x3  }
.LBB1_6:
0x3c: {  	_ =	sfence.sel $0x180000  }
0x3d: {  	s2 =	simm.s32 $0x1;
	[bflag:$0x0] =	sbarrier.arrive $0xFFFF  }
0x3e: {  	s31 =	simm.s32 $0x2;
	[sflag:s2] =	ssyncpa.u1 $0x1  }
0x3f: {  	[sflag:s31] =	ssyncpa.u1 $0x1  }
0x40: {  	p0 =	sne.s32 s0, $0x0;
	_ =	strace $0x9000004A  }
0x41: {  	s0 =	sadd.s32 @!p0 $0x100000, s1;
	[bflag:$0x2] =	sbarrier.arrive $0xFFFF  }
0x42: {  	[sflag:s0] =	ssyncadd.tile.s32 @!p0 $0x1;
	_ =	shalt  }
.Lfunc_end1:
_tile_overlayer_lowered:
.L_overlay_start_2:
0x43: {  	(tag) =	ssettag $0x2  }
0x44: {  	s0 =	rddreg [dreg:$0x0];
	s2 =	stileid.u32  }
0x45: {  	s1 =	rddreg [dreg:$0x1];
	p0 =	sne.s32 s2, $0x0  }
0x46: {  	s3 =	rddreg [dreg:$0x2];
	[bflag:$0x3] =	sbarrier.arrive $0xFFFF;
	s2 =	simm.s32 @!p0 $0x1C01  }
0x47: {  	[timem:s3], [sflag:s2] =	dma.local @!p0 [hbm:s0], s1  }
0x48: {  	s0 =	simm.s32 @!p0 $0x1  }
0x49: {  	_ =	swait.ge @!p0 [sflag:s0], s1  }
0x4a: {  	s1 =	ssub.s32 @!p0 $0x0, s1;
	[sflag:s0] =	ssyncset.done @!p0 $0x0  }
0x4b: {  	[sflag:s0] =	ssyncadd.s32 @!p0 s1  }
0x4c: {  	[bflag:$0x3] =	sbarrier.arrive $0xFFFF  }
0x4d: {  	_ =	shalt  }

</sc_bundles>
